<compile_context>
chip_gen: v7x
topology: tpu7x:2x2x1
jax: 0.10.2.dev20260603
libtpu: 0.0.44.dev20260713+nightly
codegen_flags: <defaults>
</compile_context>

<pallas_src>
import jax
import jax.numpy as jnp
from jax import lax
from jax.experimental import pallas as pl
from jax.experimental.pallas import tpu as pltpu
from jax.experimental.pallas import tpu_sc as plsc

_B = 16384
_NC = 2
_NS = 16
_NW = _NC * _NS
_BPW = _B // _NW
_G = _BPW // 16

_MESH = plsc.VectorSubcoreMesh(core_axis_name="c", subcore_axis_name="s",
                               num_cores=_NC, num_subcores=_NS)
_CPARAMS = pltpu.CompilerParams(
    needs_layout_passes=False, use_tc_tiling_on_sc=False)


def _tran_body(ind_hbm, t0_hbm, t1_hbm, o0_hbm, o1_hbm, idx_v, gat_v, sem):
    wid = lax.axis_index("s") * _NC + lax.axis_index("c")
    base = wid * _BPW
    pltpu.sync_copy(ind_hbm.at[pl.ds(base, _BPW)], idx_v)
    c0 = pltpu.async_copy(t0_hbm.at[idx_v], gat_v.at[pl.ds(0, _BPW)], sem)
    c1 = pltpu.async_copy(t1_hbm.at[idx_v], gat_v.at[pl.ds(_BPW, _BPW)], sem)
    c0.wait()
    c1.wait()
    o0 = pltpu.async_copy(gat_v.at[pl.ds(0, _BPW)],
                          o0_hbm.at[pl.ds(base, _BPW)], sem)
    o1 = pltpu.async_copy(gat_v.at[pl.ds(_BPW, _BPW)],
                          o1_hbm.at[pl.ds(base, _BPW)], sem)
    o0.wait()
    o1.wait()


_tran_call = pl.kernel(
    _tran_body,
    out_type=[jax.ShapeDtypeStruct((_B,), jnp.float32)] * 2,
    mesh=_MESH,
    compiler_params=_CPARAMS,
    scratch_types=[
        pltpu.VMEM((_BPW,), jnp.int32),
        pltpu.VMEM((2 * _BPW,), jnp.float32),
        pltpu.SemaphoreType.DMA,
    ],
)


def _quat_body(ind_hbm, qr_hbm, qi_hbm, qj_hbm, qk_hbm, *rest):
    outs = rest[:9]
    idx_v, gat_v, out_v, sem, osem = rest[9:]
    wid = lax.axis_index("s") * _NC + lax.axis_index("c")
    base = wid * _BPW

    pltpu.sync_copy(ind_hbm.at[pl.ds(base, _BPW)], idx_v)
    tables = (qr_hbm, qi_hbm, qj_hbm, qk_hbm)
    copies = [
        pltpu.async_copy(tab.at[idx_v], gat_v.at[pl.ds(c * _BPW, _BPW)], sem)
        for c, tab in enumerate(tables)
    ]
    for cp in copies:
        cp.wait()

    one = jnp.float32(1.0)

    def group(g, carry):
        r = gat_v[pl.ds(g * 16, 16)]
        i = gat_v[pl.ds(_BPW + g * 16, 16)]
        j = gat_v[pl.ds(2 * _BPW + g * 16, 16)]
        k = gat_v[pl.ds(3 * _BPW + g * 16, 16)]

        rr, ii, jj, kk = r * r, i * i, j * j, k * k
        s = 2.0 / (rr + ii + jj + kk)
        ij, ik, jk = i * j, i * k, j * k
        ri, rj, rk = r * i, r * j, r * k

        vals = (one - s * (jj + kk), s * (ij - rk), s * (ik + rj),
                s * (ij + rk), one - s * (ii + kk), s * (jk - ri),
                s * (ik - rj), s * (jk + ri), one - s * (ii + jj))
        for c, v in enumerate(vals):
            out_v[pl.ds(c * _BPW + g * 16, 16)] = v
        return carry

    lax.fori_loop(0, _G, group, 0)

    ocopies = [
        pltpu.async_copy(out_v.at[pl.ds(c * _BPW, _BPW)],
                         o.at[pl.ds(base, _BPW)], osem)
        for c, o in enumerate(outs)
    ]
    for cp in ocopies:
        cp.wait()


_quat_call = pl.kernel(
    _quat_body,
    out_type=[jax.ShapeDtypeStruct((_B,), jnp.float32)] * 9,
    mesh=_MESH,
    compiler_params=_CPARAMS,
    scratch_types=[
        pltpu.VMEM((_BPW,), jnp.int32),
        pltpu.VMEM((4 * _BPW,), jnp.float32),
        pltpu.VMEM((9 * _BPW,), jnp.float32),
        pltpu.SemaphoreType.DMA,
        pltpu.SemaphoreType.DMA,
    ],
)


@jax.jit
def kernel(ind, rots_emb_weight, trans_emb_weight):
    ind32 = ind.astype(jnp.int32)
    t0, t1 = _tran_call(ind32, trans_emb_weight[:, 0], trans_emb_weight[:, 1])
    mats = _quat_call(
        ind32,
        rots_emb_weight[:, 0], rots_emb_weight[:, 1],
        rots_emb_weight[:, 2], rots_emb_weight[:, 3],
    )
    rot = jnp.stack(mats, axis=1).reshape(_B, 3, 3)
    tran = jnp.stack([t0, t1], axis=1)
    return rot, tran

# --- scband reference (transcript-rebuilt; emitter-appended) ---
"""Pipeline reference for scband-pose-tracker-40269613367475 (READ-ONLY COPY).

The authoritative reference and input builder live on the scoring server;
editing this copy changes nothing except your own understanding.
"""

import jax, jax.numpy as jnp
import numpy as np

NIMG = 1000000
BATCH = 16384
D_BOX = 128


def quaternions_to_SO3(q):
    # faithful translation of lie_tools.quaternions_to_SO3
    q = q / jnp.linalg.norm(q, axis=-1, keepdims=True)
    r, i, j, k = q[..., 0], q[..., 1], q[..., 2], q[..., 3]
    rot = jnp.stack(
        [
            1 - 2 * (j * j + k * k), 2 * (i * j - r * k), 2 * (i * k + r * j),
            2 * (i * j + r * k), 1 - 2 * (i * i + k * k), 2 * (j * k - r * i),
            2 * (i * k - r * j), 2 * (j * k + r * i), 1 - 2 * (i * i + j * j),
        ],
        axis=-1,
    )
    return rot.reshape(q.shape[:-1] + (3, 3))


def setup_inputs(seed: int = 0) -> dict:
    key = jax.random.key(seed)
    k1, k2, k3 = jax.random.split(key, 3)
    ind = jax.random.randint(k1, (BATCH,), 0, NIMG, dtype=jnp.int64 if jax.config.jax_enable_x64 else jnp.int32)
    # learned parameters: nn.Embedding(Nimg, 4) initialized from SO3_to_quaternions(rots)
    # (random unit-ish quaternions stand in for the converted poses)
    rots_emb_weight = jax.random.normal(k2, (NIMG, 4), dtype=jnp.float32)
    # nn.Embedding(Nimg, 2) initialized from trans (in pixels, scaled by D)
    trans_emb_weight = jax.random.uniform(k3, (NIMG, 2), dtype=jnp.float32, minval=-1.0, maxval=1.0) * D_BOX
    return {"ind": ind, "rots_emb_weight": rots_emb_weight, "trans_emb_weight": trans_emb_weight}


def reference(ind, rots_emb_weight, trans_emb_weight):
    # PoseTracker.get_pose with emb_type='quat' and use_trans=True
    q = jnp.take(rots_emb_weight, ind, axis=0)          # embedding lookup (gather)
    rot = quaternions_to_SO3(q)                          # [B, 3, 3]
    tran = jnp.take(trans_emb_weight, ind, axis=0)       # [B, 2]
    return (rot, tran)

if __name__ == "__main__":
    import jax
    _d = setup_inputs()
    print(jax.jit(kernel)(*tuple(_d.values())))

</pallas_src>

<mosaic_0001>
#map = affine_map<(d0, d1) -> (0)>
module attributes {stable_mosaic.version = 14 : i64} {
  func.func @_quat_body(%arg0: i32, %arg1: i32, %arg2: memref<16384xi32, #tpu.memory_space<hbm>>, %arg3: memref<1000000xf32, #tpu.memory_space<hbm>>, %arg4: memref<1000000xf32, #tpu.memory_space<hbm>>, %arg5: memref<1000000xf32, #tpu.memory_space<hbm>>, %arg6: memref<1000000xf32, #tpu.memory_space<hbm>>, %arg7: memref<16384xf32, #tpu.memory_space<hbm>>, %arg8: memref<16384xf32, #tpu.memory_space<hbm>>, %arg9: memref<16384xf32, #tpu.memory_space<hbm>>, %arg10: memref<16384xf32, #tpu.memory_space<hbm>>, %arg11: memref<16384xf32, #tpu.memory_space<hbm>>, %arg12: memref<16384xf32, #tpu.memory_space<hbm>>, %arg13: memref<16384xf32, #tpu.memory_space<hbm>>, %arg14: memref<16384xf32, #tpu.memory_space<hbm>>, %arg15: memref<16384xf32, #tpu.memory_space<hbm>>, %arg16: memref<512xi32, #tpu.memory_space<vmem>>, %arg17: memref<2048xf32, #tpu.memory_space<vmem>>, %arg18: memref<4608xf32, #tpu.memory_space<vmem>>, %arg19: memref<!tpu.dma_semaphore, #tpu.memory_space<semaphore_mem>>, %arg20: memref<!tpu.dma_semaphore, #tpu.memory_space<semaphore_mem>>) attributes {dimension_semantics = [#tpu.dimension_semantics<core_parallel>, #tpu.dimension_semantics<subcore_parallel>], iteration_bounds = array<i64: 2, 16>, scalar_prefetch = 0 : i64, scratch_operands = 5 : i64, tpu.core_type = #tpu.core_type<sc_vector_subcore>, window_params = [{transform_indices = #map}, {transform_indices = #map}, {transform_indices = #map}, {transform_indices = #map}, {transform_indices = #map}, {transform_indices = #map}, {transform_indices = #map}, {transform_indices = #map}, {transform_indices = #map}, {transform_indices = #map}, {transform_indices = #map}, {transform_indices = #map}, {transform_indices = #map}, {transform_indices = #map}]} {
    %mul3A = arith.constant 2 : i32
    %mul3A_0 = arith.muli %arg1, %mul3A : i32
    %add3A = arith.addi %mul3A_0, %arg0 : i32
    %mul3A_1 = arith.constant 512 : i32
    %mul3A_2 = arith.muli %add3A, %mul3A_1 : i32
    "tpu.region"() ({
      %run_scoped3A = tpu.sem_alloc : memref<!tpu.dma_semaphore, #tpu.memory_space<semaphore_mem>>
      %dma_start3A_147 = tpu.memref_slice %arg2[%mul3A_2] : memref<16384xi32, #tpu.memory_space<hbm>> -> memref<512xi32, #tpu.memory_space<hbm>>
      %dma_start3A_148 = tpu.memref_slice %arg2[%mul3A_2] : memref<16384xi32, #tpu.memory_space<hbm>> -> memref<512xi32, #tpu.memory_space<hbm>>
      tpu.enqueue_dma source(%dma_start3A_148 : memref<512xi32, #tpu.memory_space<hbm>>) target(%arg16 : memref<512xi32, #tpu.memory_space<vmem>>) target_semaphore(%run_scoped3A : memref<!tpu.dma_semaphore, #tpu.memory_space<semaphore_mem>>)
      %dma_wait3A_149 = tpu.memref_slice %arg2[%mul3A_2] : memref<16384xi32, #tpu.memory_space<hbm>> -> memref<512xi32, #tpu.memory_space<hbm>>
      %dma_wait3A_150 = tpu.memref_slice %arg2[%mul3A_2] : memref<16384xi32, #tpu.memory_space<hbm>> -> memref<512xi32, #tpu.memory_space<hbm>>
      tpu.wait_dma2 semaphore(%run_scoped3A : memref<!tpu.dma_semaphore, #tpu.memory_space<semaphore_mem>>) src(%dma_wait3A_150 : memref<512xi32, #tpu.memory_space<hbm>>) dst(%arg16 : memref<512xi32, #tpu.memory_space<vmem>>)
      tpu.yield
    }) : () -> ()
    %dma_start3A = arith.constant 0 : i32
    %dma_start3A_3 = tpu.memref_slice %arg17[%dma_start3A] : memref<2048xf32, #tpu.memory_space<vmem>> -> memref<512xf32, #tpu.memory_space<vmem>>
    %dma_start3A_4 = arith.constant 0 : i32
    %dma_start3A_5 = tpu.memref_slice %arg3[%dma_start3A_4] : memref<1000000xf32, #tpu.memory_space<hbm>> -> memref<1000000xf32, #tpu.memory_space<hbm>>
    tpu.enqueue_indirect_dma source(%dma_start3A_5 : memref<1000000xf32, #tpu.memory_space<hbm>>) target(%dma_start3A_3 : memref<512xf32, #tpu.memory_space<vmem>>) offsets(%arg16 : memref<512xi32, #tpu.memory_space<vmem>>) semaphore(%arg19 : memref<!tpu.dma_semaphore, #tpu.memory_space<semaphore_mem>>)
    %dma_start3A_6 = arith.constant 512 : i32
    %dma_start3A_7 = tpu.memref_slice %arg17[%dma_start3A_6] : memref<2048xf32, #tpu.memory_space<vmem>> -> memref<512xf32, #tpu.memory_space<vmem>>
    %dma_start3A_8 = arith.constant 0 : i32
    %dma_start3A_9 = tpu.memref_slice %arg4[%dma_start3A_8] : memref<1000000xf32, #tpu.memory_space<hbm>> -> memref<1000000xf32, #tpu.memory_space<hbm>>
    tpu.enqueue_indirect_dma source(%dma_start3A_9 : memref<1000000xf32, #tpu.memory_space<hbm>>) target(%dma_start3A_7 : memref<512xf32, #tpu.memory_space<vmem>>) offsets(%arg16 : memref<512xi32, #tpu.memory_space<vmem>>) semaphore(%arg19 : memref<!tpu.dma_semaphore, #tpu.memory_space<semaphore_mem>>)
    %dma_start3A_10 = arith.constant 1024 : i32
    %dma_start3A_11 = tpu.memref_slice %arg17[%dma_start3A_10] : memref<2048xf32, #tpu.memory_space<vmem>> -> memref<512xf32, #tpu.memory_space<vmem>>
    %dma_start3A_12 = arith.constant 0 : i32
    %dma_start3A_13 = tpu.memref_slice %arg5[%dma_start3A_12] : memref<1000000xf32, #tpu.memory_space<hbm>> -> memref<1000000xf32, #tpu.memory_space<hbm>>
    tpu.enqueue_indirect_dma source(%dma_start3A_13 : memref<1000000xf32, #tpu.memory_space<hbm>>) target(%dma_start3A_11 : memref<512xf32, #tpu.memory_space<vmem>>) offsets(%arg16 : memref<512xi32, #tpu.memory_space<vmem>>) semaphore(%arg19 : memref<!tpu.dma_semaphore, #tpu.memory_space<semaphore_mem>>)
    %dma_start3A_14 = arith.constant 1536 : i32
    %dma_start3A_15 = tpu.memref_slice %arg17[%dma_start3A_14] : memref<2048xf32, #tpu.memory_space<vmem>> -> memref<512xf32, #tpu.memory_space<vmem>>
    %dma_start3A_16 = arith.constant 0 : i32
    %dma_start3A_17 = tpu.memref_slice %arg6[%dma_start3A_16] : memref<1000000xf32, #tpu.memory_space<hbm>> -> memref<1000000xf32, #tpu.memory_space<hbm>>
    tpu.enqueue_indirect_dma source(%dma_start3A_17 : memref<1000000xf32, #tpu.memory_space<hbm>>) target(%dma_start3A_15 : memref<512xf32, #tpu.memory_space<vmem>>) offsets(%arg16 : memref<512xi32, #tpu.memory_space<vmem>>) semaphore(%arg19 : memref<!tpu.dma_semaphore, #tpu.memory_space<semaphore_mem>>)
    %dma_wait3A = arith.constant 0 : i32
    %dma_wait3A_18 = tpu.memref_slice %arg17[%dma_wait3A] : memref<2048xf32, #tpu.memory_space<vmem>> -> memref<512xf32, #tpu.memory_space<vmem>>
    %dma_wait3A_19 = arith.constant 0 : i32
    %dma_wait3A_20 = tpu.memref_slice %arg3[%dma_wait3A_19] : memref<1000000xf32, #tpu.memory_space<hbm>> -> memref<1000000xf32, #tpu.memory_space<hbm>>
    tpu.wait_indirect_dma semaphore(%arg19 : memref<!tpu.dma_semaphore, #tpu.memory_space<semaphore_mem>>) src(%dma_wait3A_20 : memref<1000000xf32, #tpu.memory_space<hbm>>) dst(%dma_wait3A_18 : memref<512xf32, #tpu.memory_space<vmem>>)
    %dma_wait3A_21 = arith.constant 512 : i32
    %dma_wait3A_22 = tpu.memref_slice %arg17[%dma_wait3A_21] : memref<2048xf32, #tpu.memory_space<vmem>> -> memref<512xf32, #tpu.memory_space<vmem>>
    %dma_wait3A_23 = arith.constant 0 : i32
    %dma_wait3A_24 = tpu.memref_slice %arg4[%dma_wait3A_23] : memref<1000000xf32, #tpu.memory_space<hbm>> -> memref<1000000xf32, #tpu.memory_space<hbm>>
    tpu.wait_indirect_dma semaphore(%arg19 : memref<!tpu.dma_semaphore, #tpu.memory_space<semaphore_mem>>) src(%dma_wait3A_24 : memref<1000000xf32, #tpu.memory_space<hbm>>) dst(%dma_wait3A_22 : memref<512xf32, #tpu.memory_space<vmem>>)
    %dma_wait3A_25 = arith.constant 1024 : i32
    %dma_wait3A_26 = tpu.memref_slice %arg17[%dma_wait3A_25] : memref<2048xf32, #tpu.memory_space<vmem>> -> memref<512xf32, #tpu.memory_space<vmem>>
    %dma_wait3A_27 = arith.constant 0 : i32
    %dma_wait3A_28 = tpu.memref_slice %arg5[%dma_wait3A_27] : memref<1000000xf32, #tpu.memory_space<hbm>> -> memref<1000000xf32, #tpu.memory_space<hbm>>
    tpu.wait_indirect_dma semaphore(%arg19 : memref<!tpu.dma_semaphore, #tpu.memory_space<semaphore_mem>>) src(%dma_wait3A_28 : memref<1000000xf32, #tpu.memory_space<hbm>>) dst(%dma_wait3A_26 : memref<512xf32, #tpu.memory_space<vmem>>)
    %dma_wait3A_29 = arith.constant 1536 : i32
    %dma_wait3A_30 = tpu.memref_slice %arg17[%dma_wait3A_29] : memref<2048xf32, #tpu.memory_space<vmem>> -> memref<512xf32, #tpu.memory_space<vmem>>
    %dma_wait3A_31 = arith.constant 0 : i32
    %dma_wait3A_32 = tpu.memref_slice %arg6[%dma_wait3A_31] : memref<1000000xf32, #tpu.memory_space<hbm>> -> memref<1000000xf32, #tpu.memory_space<hbm>>
    tpu.wait_indirect_dma semaphore(%arg19 : memref<!tpu.dma_semaphore, #tpu.memory_space<semaphore_mem>>) src(%dma_wait3A_32 : memref<1000000xf32, #tpu.memory_space<hbm>>) dst(%dma_wait3A_30 : memref<512xf32, #tpu.memory_space<vmem>>)
    %scan3A = arith.constant 0 : i32
    %scan3A_33 = arith.constant 1.000000e+00 : f32
    %scan3A_34 = arith.constant 0 : i32
    %scan3A_35 = arith.constant 32 : i32
    %scan3A_36 = arith.addi %scan3A_34, %scan3A_35 : i32
    %scan3A_37 = arith.constant 1 : i32
    scf.for %scan3A_147 = %scan3A_34 to %scan3A_36 step %scan3A_37  : i32 {
      %mul3A_148 = arith.constant 16 : i32
      %mul3A_149 = arith.muli %scan3A_147, %mul3A_148 : i32
      %get3A = arith.index_cast %mul3A_149 : i32 to index
      %get3A_150 = tpu.vector_load %arg17[%get3A] {strides = array<i32>} : memref<2048xf32, #tpu.memory_space<vmem>>, vector<16xf32>,
      %mul3A_151 = arith.constant 16 : i32
      %mul3A_152 = arith.muli %scan3A_147, %mul3A_151 : i32
      %add3A_153 = arith.constant 512 : i32
      %add3A_154 = arith.addi %add3A_153, %mul3A_152 : i32
      %get3A_155 = arith.index_cast %add3A_154 : i32 to index
      %get3A_156 = tpu.vector_load %arg17[%get3A_155] {strides = array<i32>} : memref<2048xf32, #tpu.memory_space<vmem>>, vector<16xf32>,
      %mul3A_157 = arith.constant 16 : i32
      %mul3A_158 = arith.muli %scan3A_147, %mul3A_157 : i32
      %add3A_159 = arith.constant 1024 : i32
      %add3A_160 = arith.addi %add3A_159, %mul3A_158 : i32
      %get3A_161 = arith.index_cast %add3A_160 : i32 to index
      %get3A_162 = tpu.vector_load %arg17[%get3A_161] {strides = array<i32>} : memref<2048xf32, #tpu.memory_space<vmem>>, vector<16xf32>,
      %mul3A_163 = arith.constant 16 : i32
      %mul3A_164 = arith.muli %scan3A_147, %mul3A_163 : i32
      %add3A_165 = arith.constant 1536 : i32
      %add3A_166 = arith.addi %add3A_165, %mul3A_164 : i32
      %get3A_167 = arith.index_cast %add3A_166 : i32 to index
      %get3A_168 = tpu.vector_load %arg17[%get3A_167] {strides = array<i32>} : memref<2048xf32, #tpu.memory_space<vmem>>, vector<16xf32>,
      %mul3A_169 = arith.mulf %get3A_150, %get3A_150 : vector<16xf32>
      %mul3A_170 = arith.mulf %get3A_156, %get3A_156 : vector<16xf32>
      %mul3A_171 = arith.mulf %get3A_162, %get3A_162 : vector<16xf32>
      %mul3A_172 = arith.mulf %get3A_168, %get3A_168 : vector<16xf32>
      %add3A_173 = arith.addf %mul3A_169, %mul3A_170 : vector<16xf32>
      %add3A_174 = arith.addf %add3A_173, %mul3A_171 : vector<16xf32>
      %add3A_175 = arith.addf %add3A_174, %mul3A_172 : vector<16xf32>
      %div3A = arith.constant 2.000000e+00 : f32
      %div3A_176 = vector.broadcast %div3A : f32 to vector<16xf32>
      %div3A_177 = arith.divf %div3A_176, %add3A_175 : vector<16xf32>
      %mul3A_178 = arith.mulf %get3A_156, %get3A_162 : vector<16xf32>
      %mul3A_179 = arith.mulf %get3A_156, %get3A_168 : vector<16xf32>
      %mul3A_180 = arith.mulf %get3A_162, %get3A_168 : vector<16xf32>
      %mul3A_181 = arith.mulf %get3A_150, %get3A_156 : vector<16xf32>
      %mul3A_182 = arith.mulf %get3A_150, %get3A_162 : vector<16xf32>
      %mul3A_183 = arith.mulf %get3A_150, %get3A_168 : vector<16xf32>
      %add3A_184 = arith.addf %mul3A_171, %mul3A_172 : vector<16xf32>
      %mul3A_185 = arith.mulf %div3A_177, %add3A_184 : vector<16xf32>
      %sub3A = vector.broadcast %scan3A_33 : f32 to vector<16xf32>
      %sub3A_186 = arith.subf %sub3A, %mul3A_185 : vector<16xf32>
      %sub3A_187 = arith.subf %mul3A_178, %mul3A_183 : vector<16xf32>
      %mul3A_188 = arith.mulf %div3A_177, %sub3A_187 : vector<16xf32>
      %add3A_189 = arith.addf %mul3A_179, %mul3A_182 : vector<16xf32>
      %mul3A_190 = arith.mulf %div3A_177, %add3A_189 : vector<16xf32>
      %add3A_191 = arith.addf %mul3A_178, %mul3A_183 : vector<16xf32>
      %mul3A_192 = arith.mulf %div3A_177, %add3A_191 : vector<16xf32>
      %add3A_193 = arith.addf %mul3A_170, %mul3A_172 : vector<16xf32>
      %mul3A_194 = arith.mulf %div3A_177, %add3A_193 : vector<16xf32>
      %sub3A_195 = vector.broadcast %scan3A_33 : f32 to vector<16xf32>
      %sub3A_196 = arith.subf %sub3A_195, %mul3A_194 : vector<16xf32>
      %sub3A_197 = arith.subf %mul3A_180, %mul3A_181 : vector<16xf32>
      %mul3A_198 = arith.mulf %div3A_177, %sub3A_197 : vector<16xf32>
      %sub3A_199 = arith.subf %mul3A_179, %mul3A_182 : vector<16xf32>
      %mul3A_200 = arith.mulf %div3A_177, %sub3A_199 : vector<16xf32>
      %add3A_201 = arith.addf %mul3A_180, %mul3A_181 : vector<16xf32>
      %mul3A_202 = arith.mulf %div3A_177, %add3A_201 : vector<16xf32>
      %add3A_203 = arith.addf %mul3A_170, %mul3A_171 : vector<16xf32>
      %mul3A_204 = arith.mulf %div3A_177, %add3A_203 : vector<16xf32>
      %sub3A_205 = vector.broadcast %scan3A_33 : f32 to vector<16xf32>
      %sub3A_206 = arith.subf %sub3A_205, %mul3A_204 : vector<16xf32>
      %mul3A_207 = arith.constant 16 : i32
      %mul3A_208 = arith.muli %scan3A_147, %mul3A_207 : i32
      %add3A_209 = arith.constant 0 : i32
      %add3A_210 = arith.addi %add3A_209, %mul3A_208 : i32
      %swap3A = arith.index_cast %add3A_210 : i32 to index
      %swap3A_211 = tpu.vector_load %arg18[%swap3A] {strides = array<i32>} : memref<4608xf32, #tpu.memory_space<vmem>>, vector<16xf32>,
      tpu.vector_store %arg18[%swap3A], %sub3A_186 {strides = array<i32>} : memref<4608xf32, #tpu.memory_space<vmem>>, vector<16xf32>,
      %mul3A_212 = arith.constant 16 : i32
      %mul3A_213 = arith.muli %scan3A_147, %mul3A_212 : i32
      %add3A_214 = arith.constant 512 : i32
      %add3A_215 = arith.addi %add3A_214, %mul3A_213 : i32
      %swap3A_216 = arith.index_cast %add3A_215 : i32 to index
      %swap3A_217 = tpu.vector_load %arg18[%swap3A_216] {strides = array<i32>} : memref<4608xf32, #tpu.memory_space<vmem>>, vector<16xf32>,
      tpu.vector_store %arg18[%swap3A_216], %mul3A_188 {strides = array<i32>} : memref<4608xf32, #tpu.memory_space<vmem>>, vector<16xf32>,
      %mul3A_218 = arith.constant 16 : i32
      %mul3A_219 = arith.muli %scan3A_147, %mul3A_218 : i32
      %add3A_220 = arith.constant 1024 : i32
      %add3A_221 = arith.addi %add3A_220, %mul3A_219 : i32
      %swap3A_222 = arith.index_cast %add3A_221 : i32 to index
      %swap3A_223 = tpu.vector_load %arg18[%swap3A_222] {strides = array<i32>} : memref<4608xf32, #tpu.memory_space<vmem>>, vector<16xf32>,
      tpu.vector_store %arg18[%swap3A_222], %mul3A_190 {strides = array<i32>} : memref<4608xf32, #tpu.memory_space<vmem>>, vector<16xf32>,
      %mul3A_224 = arith.constant 16 : i32
      %mul3A_225 = arith.muli %scan3A_147, %mul3A_224 : i32
      %add3A_226 = arith.constant 1536 : i32
      %add3A_227 = arith.addi %add3A_226, %mul3A_225 : i32
      %swap3A_228 = arith.index_cast %add3A_227 : i32 to index
      %swap3A_229 = tpu.vector_load %arg18[%swap3A_228] {strides = array<i32>} : memref<4608xf32, #tpu.memory_space<vmem>>, vector<16xf32>,
      tpu.vector_store %arg18[%swap3A_228], %mul3A_192 {strides = array<i32>} : memref<4608xf32, #tpu.memory_space<vmem>>, vector<16xf32>,
      %mul3A_230 = arith.constant 16 : i32
      %mul3A_231 = arith.muli %scan3A_147, %mul3A_230 : i32
      %add3A_232 = arith.constant 2048 : i32
      %add3A_233 = arith.addi %add3A_232, %mul3A_231 : i32
      %swap3A_234 = arith.index_cast %add3A_233 : i32 to index
      %swap3A_235 = tpu.vector_load %arg18[%swap3A_234] {strides = array<i32>} : memref<4608xf32, #tpu.memory_space<vmem>>, vector<16xf32>,
      tpu.vector_store %arg18[%swap3A_234], %sub3A_196 {strides = array<i32>} : memref<4608xf32, #tpu.memory_space<vmem>>, vector<16xf32>,
      %mul3A_236 = arith.constant 16 : i32
      %mul3A_237 = arith.muli %scan3A_147, %mul3A_236 : i32
      %add3A_238 = arith.constant 2560 : i32
      %add3A_239 = arith.addi %add3A_238, %mul3A_237 : i32
      %swap3A_240 = arith.index_cast %add3A_239 : i32 to index
      %swap3A_241 = tpu.vector_load %arg18[%swap3A_240] {strides = array<i32>} : memref<4608xf32, #tpu.memory_space<vmem>>, vector<16xf32>,
      tpu.vector_store %arg18[%swap3A_240], %mul3A_198 {strides = array<i32>} : memref<4608xf32, #tpu.memory_space<vmem>>, vector<16xf32>,
      %mul3A_242 = arith.constant 16 : i32
      %mul3A_243 = arith.muli %scan3A_147, %mul3A_242 : i32
      %add3A_244 = arith.constant 3072 : i32
      %add3A_245 = arith.addi %add3A_244, %mul3A_243 : i32
      %swap3A_246 = arith.index_cast %add3A_245 : i32 to index
      %swap3A_247 = tpu.vector_load %arg18[%swap3A_246] {strides = array<i32>} : memref<4608xf32, #tpu.memory_space<vmem>>, vector<16xf32>,
      tpu.vector_store %arg18[%swap3A_246], %mul3A_200 {strides = array<i32>} : memref<4608xf32, #tpu.memory_space<vmem>>, vector<16xf32>,
      %mul3A_248 = arith.constant 16 : i32
      %mul3A_249 = arith.muli %scan3A_147, %mul3A_248 : i32
      %add3A_250 = arith.constant 3584 : i32
      %add3A_251 = arith.addi %add3A_250, %mul3A_249 : i32
      %swap3A_252 = arith.index_cast %add3A_251 : i32 to index
      %swap3A_253 = tpu.vector_load %arg18[%swap3A_252] {strides = array<i32>} : memref<4608xf32, #tpu.memory_space<vmem>>, vector<16xf32>,
      tpu.vector_store %arg18[%swap3A_252], %mul3A_202 {strides = array<i32>} : memref<4608xf32, #tpu.memory_space<vmem>>, vector<16xf32>,
      %mul3A_254 = arith.constant 16 : i32
      %mul3A_255 = arith.muli %scan3A_147, %mul3A_254 : i32
      %add3A_256 = arith.constant 4096 : i32
      %add3A_257 = arith.addi %add3A_256, %mul3A_255 : i32
      %swap3A_258 = arith.index_cast %add3A_257 : i32 to index
      %swap3A_259 = tpu.vector_load %arg18[%swap3A_258] {strides = array<i32>} : memref<4608xf32, #tpu.memory_space<vmem>>, vector<16xf32>,
      tpu.vector_store %arg18[%swap3A_258], %sub3A_206 {strides = array<i32>} : memref<4608xf32, #tpu.memory_space<vmem>>, vector<16xf32>,
    }
    %scan3A_38 = arith.constant 32 : i32
    %dma_start3A_39 = arith.constant 0 : i32
    %dma_start3A_40 = tpu.memref_slice %arg18[%dma_start3A_39] : memref<4608xf32, #tpu.memory_space<vmem>> -> memref<512xf32, #tpu.memory_space<vmem>>
    %dma_start3A_41 = tpu.memref_slice %arg7[%mul3A_2] : memref<16384xf32, #tpu.memory_space<hbm>> -> memref<512xf32, #tpu.memory_space<hbm>>
    %dma_start3A_42 = tpu.memref_slice %arg7[%mul3A_2] : memref<16384xf32, #tpu.memory_space<hbm>> -> memref<512xf32, #tpu.memory_space<hbm>>
    %dma_start3A_43 = arith.constant 0 : i32
    %dma_start3A_44 = tpu.memref_slice %arg18[%dma_start3A_43] : memref<4608xf32, #tpu.memory_space<vmem>> -> memref<512xf32, #tpu.memory_space<vmem>>
    tpu.enqueue_dma source(%dma_start3A_44 : memref<512xf32, #tpu.memory_space<vmem>>) target(%dma_start3A_42 : memref<512xf32, #tpu.memory_space<hbm>>) target_semaphore(%arg20 : memref<!tpu.dma_semaphore, #tpu.memory_space<semaphore_mem>>)
    %dma_start3A_45 = arith.constant 512 : i32
    %dma_start3A_46 = tpu.memref_slice %arg18[%dma_start3A_45] : memref<4608xf32, #tpu.memory_space<vmem>> -> memref<512xf32, #tpu.memory_space<vmem>>
    %dma_start3A_47 = tpu.memref_slice %arg8[%mul3A_2] : memref<16384xf32, #tpu.memory_space<hbm>> -> memref<512xf32, #tpu.memory_space<hbm>>
    %dma_start3A_48 = tpu.memref_slice %arg8[%mul3A_2] : memref<16384xf32, #tpu.memory_space<hbm>> -> memref<512xf32, #tpu.memory_space<hbm>>
    %dma_start3A_49 = arith.constant 512 : i32
    %dma_start3A_50 = tpu.memref_slice %arg18[%dma_start3A_49] : memref<4608xf32, #tpu.memory_space<vmem>> -> memref<512xf32, #tpu.memory_space<vmem>>
    tpu.enqueue_dma source(%dma_start3A_50 : memref<512xf32, #tpu.memory_space<vmem>>) target(%dma_start3A_48 : memref<512xf32, #tpu.memory_space<hbm>>) target_semaphore(%arg20 : memref<!tpu.dma_semaphore, #tpu.memory_space<semaphore_mem>>)
    %dma_start3A_51 = arith.constant 1024 : i32
    %dma_start3A_52 = tpu.memref_slice %arg18[%dma_start3A_51] : memref<4608xf32, #tpu.memory_space<vmem>> -> memref<512xf32, #tpu.memory_space<vmem>>
    %dma_start3A_53 = tpu.memref_slice %arg9[%mul3A_2] : memref<16384xf32, #tpu.memory_space<hbm>> -> memref<512xf32, #tpu.memory_space<hbm>>
    %dma_start3A_54 = tpu.memref_slice %arg9[%mul3A_2] : memref<16384xf32, #tpu.memory_space<hbm>> -> memref<512xf32, #tpu.memory_space<hbm>>
    %dma_start3A_55 = arith.constant 1024 : i32
    %dma_start3A_56 = tpu.memref_slice %arg18[%dma_start3A_55] : memref<4608xf32, #tpu.memory_space<vmem>> -> memref<512xf32, #tpu.memory_space<vmem>>
    tpu.enqueue_dma source(%dma_start3A_56 : memref<512xf32, #tpu.memory_space<vmem>>) target(%dma_start3A_54 : memref<512xf32, #tpu.memory_space<hbm>>) target_semaphore(%arg20 : memref<!tpu.dma_semaphore, #tpu.memory_space<semaphore_mem>>)
    %dma_start3A_57 = arith.constant 1536 : i32
    %dma_start3A_58 = tpu.memref_slice %arg18[%dma_start3A_57] : memref<4608xf32, #tpu.memory_space<vmem>> -> memref<512xf32, #tpu.memory_space<vmem>>
    %dma_start3A_59 = tpu.memref_slice %arg10[%mul3A_2] : memref<16384xf32, #tpu.memory_space<hbm>> -> memref<512xf32, #tpu.memory_space<hbm>>
    %dma_start3A_60 = tpu.memref_slice %arg10[%mul3A_2] : memref<16384xf32, #tpu.memory_space<hbm>> -> memref<512xf32, #tpu.memory_space<hbm>>
    %dma_start3A_61 = arith.constant 1536 : i32
    %dma_start3A_62 = tpu.memref_slice %arg18[%dma_start3A_61] : memref<4608xf32, #tpu.memory_space<vmem>> -> memref<512xf32, #tpu.memory_space<vmem>>
    tpu.enqueue_dma source(%dma_start3A_62 : memref<512xf32, #tpu.memory_space<vmem>>) target(%dma_start3A_60 : memref<512xf32, #tpu.memory_space<hbm>>) target_semaphore(%arg20 : memref<!tpu.dma_semaphore, #tpu.memory_space<semaphore_mem>>)
    %dma_start3A_63 = arith.constant 2048 : i32
    %dma_start3A_64 = tpu.memref_slice %arg18[%dma_start3A_63] : memref<4608xf32, #tpu.memory_space<vmem>> -> memref<512xf32, #tpu.memory_space<vmem>>
    %dma_start3A_65 = tpu.memref_slice %arg11[%mul3A_2] : memref<16384xf32, #tpu.memory_space<hbm>> -> memref<512xf32, #tpu.memory_space<hbm>>
    %dma_start3A_66 = tpu.memref_slice %arg11[%mul3A_2] : memref<16384xf32, #tpu.memory_space<hbm>> -> memref<512xf32, #tpu.memory_space<hbm>>
    %dma_start3A_67 = arith.constant 2048 : i32
    %dma_start3A_68 = tpu.memref_slice %arg18[%dma_start3A_67] : memref<4608xf32, #tpu.memory_space<vmem>> -> memref<512xf32, #tpu.memory_space<vmem>>
    tpu.enqueue_dma source(%dma_start3A_68 : memref<512xf32, #tpu.memory_space<vmem>>) target(%dma_start3A_66 : memref<512xf32, #tpu.memory_space<hbm>>) target_semaphore(%arg20 : memref<!tpu.dma_semaphore, #tpu.memory_space<semaphore_mem>>)
    %dma_start3A_69 = arith.constant 2560 : i32
    %dma_start3A_70 = tpu.memref_slice %arg18[%dma_start3A_69] : memref<4608xf32, #tpu.memory_space<vmem>> -> memref<512xf32, #tpu.memory_space<vmem>>
    %dma_start3A_71 = tpu.memref_slice %arg12[%mul3A_2] : memref<16384xf32, #tpu.memory_space<hbm>> -> memref<512xf32, #tpu.memory_space<hbm>>
    %dma_start3A_72 = tpu.memref_slice %arg12[%mul3A_2] : memref<16384xf32, #tpu.memory_space<hbm>> -> memref<512xf32, #tpu.memory_space<hbm>>
    %dma_start3A_73 = arith.constant 2560 : i32
    %dma_start3A_74 = tpu.memref_slice %arg18[%dma_start3A_73] : memref<4608xf32, #tpu.memory_space<vmem>> -> memref<512xf32, #tpu.memory_space<vmem>>
    tpu.enqueue_dma source(%dma_start3A_74 : memref<512xf32, #tpu.memory_space<vmem>>) target(%dma_start3A_72 : memref<512xf32, #tpu.memory_space<hbm>>) target_semaphore(%arg20 : memref<!tpu.dma_semaphore, #tpu.memory_space<semaphore_mem>>)
    %dma_start3A_75 = arith.constant 3072 : i32
    %dma_start3A_76 = tpu.memref_slice %arg18[%dma_start3A_75] : memref<4608xf32, #tpu.memory_space<vmem>> -> memref<512xf32, #tpu.memory_space<vmem>>
    %dma_start3A_77 = tpu.memref_slice %arg13[%mul3A_2] : memref<16384xf32, #tpu.memory_space<hbm>> -> memref<512xf32, #tpu.memory_space<hbm>>
    %dma_start3A_78 = tpu.memref_slice %arg13[%mul3A_2] : memref<16384xf32, #tpu.memory_space<hbm>> -> memref<512xf32, #tpu.memory_space<hbm>>
    %dma_start3A_79 = arith.constant 3072 : i32
    %dma_start3A_80 = tpu.memref_slice %arg18[%dma_start3A_79] : memref<4608xf32, #tpu.memory_space<vmem>> -> memref<512xf32, #tpu.memory_space<vmem>>
    tpu.enqueue_dma source(%dma_start3A_80 : memref<512xf32, #tpu.memory_space<vmem>>) target(%dma_start3A_78 : memref<512xf32, #tpu.memory_space<hbm>>) target_semaphore(%arg20 : memref<!tpu.dma_semaphore, #tpu.memory_space<semaphore_mem>>)
    %dma_start3A_81 = arith.constant 3584 : i32
    %dma_start3A_82 = tpu.memref_slice %arg18[%dma_start3A_81] : memref<4608xf32, #tpu.memory_space<vmem>> -> memref<512xf32, #tpu.memory_space<vmem>>
    %dma_start3A_83 = tpu.memref_slice %arg14[%mul3A_2] : memref<16384xf32, #tpu.memory_space<hbm>> -> memref<512xf32, #tpu.memory_space<hbm>>
    %dma_start3A_84 = tpu.memref_slice %arg14[%mul3A_2] : memref<16384xf32, #tpu.memory_space<hbm>> -> memref<512xf32, #tpu.memory_space<hbm>>
    %dma_start3A_85 = arith.constant 3584 : i32
    %dma_start3A_86 = tpu.memref_slice %arg18[%dma_start3A_85] : memref<4608xf32, #tpu.memory_space<vmem>> -> memref<512xf32, #tpu.memory_space<vmem>>
    tpu.enqueue_dma source(%dma_start3A_86 : memref<512xf32, #tpu.memory_space<vmem>>) target(%dma_start3A_84 : memref<512xf32, #tpu.memory_space<hbm>>) target_semaphore(%arg20 : memref<!tpu.dma_semaphore, #tpu.memory_space<semaphore_mem>>)
    %dma_start3A_87 = arith.constant 4096 : i32
    %dma_start3A_88 = tpu.memref_slice %arg18[%dma_start3A_87] : memref<4608xf32, #tpu.memory_space<vmem>> -> memref<512xf32, #tpu.memory_space<vmem>>
    %dma_start3A_89 = tpu.memref_slice %arg15[%mul3A_2] : memref<16384xf32, #tpu.memory_space<hbm>> -> memref<512xf32, #tpu.memory_space<hbm>>
    %dma_start3A_90 = tpu.memref_slice %arg15[%mul3A_2] : memref<16384xf32, #tpu.memory_space<hbm>> -> memref<512xf32, #tpu.memory_space<hbm>>
    %dma_start3A_91 = arith.constant 4096 : i32
    %dma_start3A_92 = tpu.memref_slice %arg18[%dma_start3A_91] : memref<4608xf32, #tpu.memory_space<vmem>> -> memref<512xf32, #tpu.memory_space<vmem>>
    tpu.enqueue_dma source(%dma_start3A_92 : memref<512xf32, #tpu.memory_space<vmem>>) target(%dma_start3A_90 : memref<512xf32, #tpu.memory_space<hbm>>) target_semaphore(%arg20 : memref<!tpu.dma_semaphore, #tpu.memory_space<semaphore_mem>>)
    %dma_wait3A_93 = arith.constant 0 : i32
    %dma_wait3A_94 = tpu.memref_slice %arg18[%dma_wait3A_93] : memref<4608xf32, #tpu.memory_space<vmem>> -> memref<512xf32, #tpu.memory_space<vmem>>
    %dma_wait3A_95 = tpu.memref_slice %arg7[%mul3A_2] : memref<16384xf32, #tpu.memory_space<hbm>> -> memref<512xf32, #tpu.memory_space<hbm>>
    %dma_wait3A_96 = tpu.memref_slice %arg7[%mul3A_2] : memref<16384xf32, #tpu.memory_space<hbm>> -> memref<512xf32, #tpu.memory_space<hbm>>
    %dma_wait3A_97 = arith.constant 0 : i32
    %dma_wait3A_98 = tpu.memref_slice %arg18[%dma_wait3A_97] : memref<4608xf32, #tpu.memory_space<vmem>> -> memref<512xf32, #tpu.memory_space<vmem>>
    tpu.wait_dma2 semaphore(%arg20 : memref<!tpu.dma_semaphore, #tpu.memory_space<semaphore_mem>>) src(%dma_wait3A_98 : memref<512xf32, #tpu.memory_space<vmem>>) dst(%dma_wait3A_96 : memref<512xf32, #tpu.memory_space<hbm>>)
    %dma_wait3A_99 = arith.constant 512 : i32
    %dma_wait3A_100 = tpu.memref_slice %arg18[%dma_wait3A_99] : memref<4608xf32, #tpu.memory_space<vmem>> -> memref<512xf32, #tpu.memory_space<vmem>>
    %dma_wait3A_101 = tpu.memref_slice %arg8[%mul3A_2] : memref<16384xf32, #tpu.memory_space<hbm>> -> memref<512xf32, #tpu.memory_space<hbm>>
    %dma_wait3A_102 = tpu.memref_slice %arg8[%mul3A_2] : memref<16384xf32, #tpu.memory_space<hbm>> -> memref<512xf32, #tpu.memory_space<hbm>>
    %dma_wait3A_103 = arith.constant 512 : i32
    %dma_wait3A_104 = tpu.memref_slice %arg18[%dma_wait3A_103] : memref<4608xf32, #tpu.memory_space<vmem>> -> memref<512xf32, #tpu.memory_space<vmem>>
    tpu.wait_dma2 semaphore(%arg20 : memref<!tpu.dma_semaphore, #tpu.memory_space<semaphore_mem>>) src(%dma_wait3A_104 : memref<512xf32, #tpu.memory_space<vmem>>) dst(%dma_wait3A_102 : memref<512xf32, #tpu.memory_space<hbm>>)
    %dma_wait3A_105 = arith.constant 1024 : i32
    %dma_wait3A_106 = tpu.memref_slice %arg18[%dma_wait3A_105] : memref<4608xf32, #tpu.memory_space<vmem>> -> memref<512xf32, #tpu.memory_space<vmem>>
    %dma_wait3A_107 = tpu.memref_slice %arg9[%mul3A_2] : memref<16384xf32, #tpu.memory_space<hbm>> -> memref<512xf32, #tpu.memory_space<hbm>>
    %dma_wait3A_108 = tpu.memref_slice %arg9[%mul3A_2] : memref<16384xf32, #tpu.memory_space<hbm>> -> memref<512xf32, #tpu.memory_space<hbm>>
    %dma_wait3A_109 = arith.constant 1024 : i32
    %dma_wait3A_110 = tpu.memref_slice %arg18[%dma_wait3A_109] : memref<4608xf32, #tpu.memory_space<vmem>> -> memref<512xf32, #tpu.memory_space<vmem>>
    tpu.wait_dma2 semaphore(%arg20 : memref<!tpu.dma_semaphore, #tpu.memory_space<semaphore_mem>>) src(%dma_wait3A_110 : memref<512xf32, #tpu.memory_space<vmem>>) dst(%dma_wait3A_108 : memref<512xf32, #tpu.memory_space<hbm>>)
    %dma_wait3A_111 = arith.constant 1536 : i32
    %dma_wait3A_112 = tpu.memref_slice %arg18[%dma_wait3A_111] : memref<4608xf32, #tpu.memory_space<vmem>> -> memref<512xf32, #tpu.memory_space<vmem>>
    %dma_wait3A_113 = tpu.memref_slice %arg10[%mul3A_2] : memref<16384xf32, #tpu.memory_space<hbm>> -> memref<512xf32, #tpu.memory_space<hbm>>
    %dma_wait3A_114 = tpu.memref_slice %arg10[%mul3A_2] : memref<16384xf32, #tpu.memory_space<hbm>> -> memref<512xf32, #tpu.memory_space<hbm>>
    %dma_wait3A_115 = arith.constant 1536 : i32
    %dma_wait3A_116 = tpu.memref_slice %arg18[%dma_wait3A_115] : memref<4608xf32, #tpu.memory_space<vmem>> -> memref<512xf32, #tpu.memory_space<vmem>>
    tpu.wait_dma2 semaphore(%arg20 : memref<!tpu.dma_semaphore, #tpu.memory_space<semaphore_mem>>) src(%dma_wait3A_116 : memref<512xf32, #tpu.memory_space<vmem>>) dst(%dma_wait3A_114 : memref<512xf32, #tpu.memory_space<hbm>>)
    %dma_wait3A_117 = arith.constant 2048 : i32
    %dma_wait3A_118 = tpu.memref_slice %arg18[%dma_wait3A_117] : memref<4608xf32, #tpu.memory_space<vmem>> -> memref<512xf32, #tpu.memory_space<vmem>>
    %dma_wait3A_119 = tpu.memref_slice %arg11[%mul3A_2] : memref<16384xf32, #tpu.memory_space<hbm>> -> memref<512xf32, #tpu.memory_space<hbm>>
    %dma_wait3A_120 = tpu.memref_slice %arg11[%mul3A_2] : memref<16384xf32, #tpu.memory_space<hbm>> -> memref<512xf32, #tpu.memory_space<hbm>>
    %dma_wait3A_121 = arith.constant 2048 : i32
    %dma_wait3A_122 = tpu.memref_slice %arg18[%dma_wait3A_121] : memref<4608xf32, #tpu.memory_space<vmem>> -> memref<512xf32, #tpu.memory_space<vmem>>
    tpu.wait_dma2 semaphore(%arg20 : memref<!tpu.dma_semaphore, #tpu.memory_space<semaphore_mem>>) src(%dma_wait3A_122 : memref<512xf32, #tpu.memory_space<vmem>>) dst(%dma_wait3A_120 : memref<512xf32, #tpu.memory_space<hbm>>)
    %dma_wait3A_123 = arith.constant 2560 : i32
    %dma_wait3A_124 = tpu.memref_slice %arg18[%dma_wait3A_123] : memref<4608xf32, #tpu.memory_space<vmem>> -> memref<512xf32, #tpu.memory_space<vmem>>
    %dma_wait3A_125 = tpu.memref_slice %arg12[%mul3A_2] : memref<16384xf32, #tpu.memory_space<hbm>> -> memref<512xf32, #tpu.memory_space<hbm>>
    %dma_wait3A_126 = tpu.memref_slice %arg12[%mul3A_2] : memref<16384xf32, #tpu.memory_space<hbm>> -> memref<512xf32, #tpu.memory_space<hbm>>
    %dma_wait3A_127 = arith.constant 2560 : i32
    %dma_wait3A_128 = tpu.memref_slice %arg18[%dma_wait3A_127] : memref<4608xf32, #tpu.memory_space<vmem>> -> memref<512xf32, #tpu.memory_space<vmem>>
    tpu.wait_dma2 semaphore(%arg20 : memref<!tpu.dma_semaphore, #tpu.memory_space<semaphore_mem>>) src(%dma_wait3A_128 : memref<512xf32, #tpu.memory_space<vmem>>) dst(%dma_wait3A_126 : memref<512xf32, #tpu.memory_space<hbm>>)
    %dma_wait3A_129 = arith.constant 3072 : i32
    %dma_wait3A_130 = tpu.memref_slice %arg18[%dma_wait3A_129] : memref<4608xf32, #tpu.memory_space<vmem>> -> memref<512xf32, #tpu.memory_space<vmem>>
    %dma_wait3A_131 = tpu.memref_slice %arg13[%mul3A_2] : memref<16384xf32, #tpu.memory_space<hbm>> -> memref<512xf32, #tpu.memory_space<hbm>>
    %dma_wait3A_132 = tpu.memref_slice %arg13[%mul3A_2] : memref<16384xf32, #tpu.memory_space<hbm>> -> memref<512xf32, #tpu.memory_space<hbm>>
    %dma_wait3A_133 = arith.constant 3072 : i32
    %dma_wait3A_134 = tpu.memref_slice %arg18[%dma_wait3A_133] : memref<4608xf32, #tpu.memory_space<vmem>> -> memref<512xf32, #tpu.memory_space<vmem>>
    tpu.wait_dma2 semaphore(%arg20 : memref<!tpu.dma_semaphore, #tpu.memory_space<semaphore_mem>>) src(%dma_wait3A_134 : memref<512xf32, #tpu.memory_space<vmem>>) dst(%dma_wait3A_132 : memref<512xf32, #tpu.memory_space<hbm>>)
    %dma_wait3A_135 = arith.constant 3584 : i32
    %dma_wait3A_136 = tpu.memref_slice %arg18[%dma_wait3A_135] : memref<4608xf32, #tpu.memory_space<vmem>> -> memref<512xf32, #tpu.memory_space<vmem>>
    %dma_wait3A_137 = tpu.memref_slice %arg14[%mul3A_2] : memref<16384xf32, #tpu.memory_space<hbm>> -> memref<512xf32, #tpu.memory_space<hbm>>
    %dma_wait3A_138 = tpu.memref_slice %arg14[%mul3A_2] : memref<16384xf32, #tpu.memory_space<hbm>> -> memref<512xf32, #tpu.memory_space<hbm>>
    %dma_wait3A_139 = arith.constant 3584 : i32
    %dma_wait3A_140 = tpu.memref_slice %arg18[%dma_wait3A_139] : memref<4608xf32, #tpu.memory_space<vmem>> -> memref<512xf32, #tpu.memory_space<vmem>>
    tpu.wait_dma2 semaphore(%arg20 : memref<!tpu.dma_semaphore, #tpu.memory_space<semaphore_mem>>) src(%dma_wait3A_140 : memref<512xf32, #tpu.memory_space<vmem>>) dst(%dma_wait3A_138 : memref<512xf32, #tpu.memory_space<hbm>>)
    %dma_wait3A_141 = arith.constant 4096 : i32
    %dma_wait3A_142 = tpu.memref_slice %arg18[%dma_wait3A_141] : memref<4608xf32, #tpu.memory_space<vmem>> -> memref<512xf32, #tpu.memory_space<vmem>>
    %dma_wait3A_143 = tpu.memref_slice %arg15[%mul3A_2] : memref<16384xf32, #tpu.memory_space<hbm>> -> memref<512xf32, #tpu.memory_space<hbm>>
    %dma_wait3A_144 = tpu.memref_slice %arg15[%mul3A_2] : memref<16384xf32, #tpu.memory_space<hbm>> -> memref<512xf32, #tpu.memory_space<hbm>>
    %dma_wait3A_145 = arith.constant 4096 : i32
    %dma_wait3A_146 = tpu.memref_slice %arg18[%dma_wait3A_145] : memref<4608xf32, #tpu.memory_space<vmem>> -> memref<512xf32, #tpu.memory_space<vmem>>
    tpu.wait_dma2 semaphore(%arg20 : memref<!tpu.dma_semaphore, #tpu.memory_space<semaphore_mem>>) src(%dma_wait3A_146 : memref<512xf32, #tpu.memory_space<vmem>>) dst(%dma_wait3A_144 : memref<512xf32, #tpu.memory_space<hbm>>)
    return
  }
}

#map = affine_map<(d0, d1) -> (0)>
module attributes {stable_mosaic.version = 14 : i64} {
  func.func @_tran_body(%arg0: i32, %arg1: i32, %arg2: memref<16384xi32, #tpu.memory_space<hbm>>, %arg3: memref<1000000xf32, #tpu.memory_space<hbm>>, %arg4: memref<1000000xf32, #tpu.memory_space<hbm>>, %arg5: memref<16384xf32, #tpu.memory_space<hbm>>, %arg6: memref<16384xf32, #tpu.memory_space<hbm>>, %arg7: memref<512xi32, #tpu.memory_space<vmem>>, %arg8: memref<1024xf32, #tpu.memory_space<vmem>>, %arg9: memref<!tpu.dma_semaphore, #tpu.memory_space<semaphore_mem>>) attributes {dimension_semantics = [#tpu.dimension_semantics<core_parallel>, #tpu.dimension_semantics<subcore_parallel>], iteration_bounds = array<i64: 2, 16>, scalar_prefetch = 0 : i64, scratch_operands = 3 : i64, tpu.core_type = #tpu.core_type<sc_vector_subcore>, window_params = [{transform_indices = #map}, {transform_indices = #map}, {transform_indices = #map}, {transform_indices = #map}, {transform_indices = #map}]} {
    %mul3A = arith.constant 2 : i32
    %mul3A_0 = arith.muli %arg1, %mul3A : i32
    %add3A = arith.addi %mul3A_0, %arg0 : i32
    %mul3A_1 = arith.constant 512 : i32
    %mul3A_2 = arith.muli %add3A, %mul3A_1 : i32
    "tpu.region"() ({
      %run_scoped3A = tpu.sem_alloc : memref<!tpu.dma_semaphore, #tpu.memory_space<semaphore_mem>>
      %dma_start3A_41 = tpu.memref_slice %arg2[%mul3A_2] : memref<16384xi32, #tpu.memory_space<hbm>> -> memref<512xi32, #tpu.memory_space<hbm>>
      %dma_start3A_42 = tpu.memref_slice %arg2[%mul3A_2] : memref<16384xi32, #tpu.memory_space<hbm>> -> memref<512xi32, #tpu.memory_space<hbm>>
      tpu.enqueue_dma source(%dma_start3A_42 : memref<512xi32, #tpu.memory_space<hbm>>) target(%arg7 : memref<512xi32, #tpu.memory_space<vmem>>) target_semaphore(%run_scoped3A : memref<!tpu.dma_semaphore, #tpu.memory_space<semaphore_mem>>)
      %dma_wait3A_43 = tpu.memref_slice %arg2[%mul3A_2] : memref<16384xi32, #tpu.memory_space<hbm>> -> memref<512xi32, #tpu.memory_space<hbm>>
      %dma_wait3A_44 = tpu.memref_slice %arg2[%mul3A_2] : memref<16384xi32, #tpu.memory_space<hbm>> -> memref<512xi32, #tpu.memory_space<hbm>>
      tpu.wait_dma2 semaphore(%run_scoped3A : memref<!tpu.dma_semaphore, #tpu.memory_space<semaphore_mem>>) src(%dma_wait3A_44 : memref<512xi32, #tpu.memory_space<hbm>>) dst(%arg7 : memref<512xi32, #tpu.memory_space<vmem>>)
      tpu.yield
    }) : () -> ()
    %dma_start3A = arith.constant 0 : i32
    %dma_start3A_3 = tpu.memref_slice %arg8[%dma_start3A] : memref<1024xf32, #tpu.memory_space<vmem>> -> memref<512xf32, #tpu.memory_space<vmem>>
    %dma_start3A_4 = arith.constant 0 : i32
    %dma_start3A_5 = tpu.memref_slice %arg3[%dma_start3A_4] : memref<1000000xf32, #tpu.memory_space<hbm>> -> memref<1000000xf32, #tpu.memory_space<hbm>>
    tpu.enqueue_indirect_dma source(%dma_start3A_5 : memref<1000000xf32, #tpu.memory_space<hbm>>) target(%dma_start3A_3 : memref<512xf32, #tpu.memory_space<vmem>>) offsets(%arg7 : memref<512xi32, #tpu.memory_space<vmem>>) semaphore(%arg9 : memref<!tpu.dma_semaphore, #tpu.memory_space<semaphore_mem>>)
    %dma_start3A_6 = arith.constant 512 : i32
    %dma_start3A_7 = tpu.memref_slice %arg8[%dma_start3A_6] : memref<1024xf32, #tpu.memory_space<vmem>> -> memref<512xf32, #tpu.memory_space<vmem>>
    %dma_start3A_8 = arith.constant 0 : i32
    %dma_start3A_9 = tpu.memref_slice %arg4[%dma_start3A_8] : memref<1000000xf32, #tpu.memory_space<hbm>> -> memref<1000000xf32, #tpu.memory_space<hbm>>
    tpu.enqueue_indirect_dma source(%dma_start3A_9 : memref<1000000xf32, #tpu.memory_space<hbm>>) target(%dma_start3A_7 : memref<512xf32, #tpu.memory_space<vmem>>) offsets(%arg7 : memref<512xi32, #tpu.memory_space<vmem>>) semaphore(%arg9 : memref<!tpu.dma_semaphore, #tpu.memory_space<semaphore_mem>>)
    %dma_wait3A = arith.constant 0 : i32
    %dma_wait3A_10 = tpu.memref_slice %arg8[%dma_wait3A] : memref<1024xf32, #tpu.memory_space<vmem>> -> memref<512xf32, #tpu.memory_space<vmem>>
    %dma_wait3A_11 = arith.constant 0 : i32
    %dma_wait3A_12 = tpu.memref_slice %arg3[%dma_wait3A_11] : memref<1000000xf32, #tpu.memory_space<hbm>> -> memref<1000000xf32, #tpu.memory_space<hbm>>
    tpu.wait_indirect_dma semaphore(%arg9 : memref<!tpu.dma_semaphore, #tpu.memory_space<semaphore_mem>>) src(%dma_wait3A_12 : memref<1000000xf32, #tpu.memory_space<hbm>>) dst(%dma_wait3A_10 : memref<512xf32, #tpu.memory_space<vmem>>)
    %dma_wait3A_13 = arith.constant 512 : i32
    %dma_wait3A_14 = tpu.memref_slice %arg8[%dma_wait3A_13] : memref<1024xf32, #tpu.memory_space<vmem>> -> memref<512xf32, #tpu.memory_space<vmem>>
    %dma_wait3A_15 = arith.constant 0 : i32
    %dma_wait3A_16 = tpu.memref_slice %arg4[%dma_wait3A_15] : memref<1000000xf32, #tpu.memory_space<hbm>> -> memref<1000000xf32, #tpu.memory_space<hbm>>
    tpu.wait_indirect_dma semaphore(%arg9 : memref<!tpu.dma_semaphore, #tpu.memory_space<semaphore_mem>>) src(%dma_wait3A_16 : memref<1000000xf32, #tpu.memory_space<hbm>>) dst(%dma_wait3A_14 : memref<512xf32, #tpu.memory_space<vmem>>)
    %dma_start3A_17 = arith.constant 0 : i32
    %dma_start3A_18 = tpu.memref_slice %arg8[%dma_start3A_17] : memref<1024xf32, #tpu.memory_space<vmem>> -> memref<512xf32, #tpu.memory_space<vmem>>
    %dma_start3A_19 = tpu.memref_slice %arg5[%mul3A_2] : memref<16384xf32, #tpu.memory_space<hbm>> -> memref<512xf32, #tpu.memory_space<hbm>>
    %dma_start3A_20 = tpu.memref_slice %arg5[%mul3A_2] : memref<16384xf32, #tpu.memory_space<hbm>> -> memref<512xf32, #tpu.memory_space<hbm>>
    %dma_start3A_21 = arith.constant 0 : i32
    %dma_start3A_22 = tpu.memref_slice %arg8[%dma_start3A_21] : memref<1024xf32, #tpu.memory_space<vmem>> -> memref<512xf32, #tpu.memory_space<vmem>>
    tpu.enqueue_dma source(%dma_start3A_22 : memref<512xf32, #tpu.memory_space<vmem>>) target(%dma_start3A_20 : memref<512xf32, #tpu.memory_space<hbm>>) target_semaphore(%arg9 : memref<!tpu.dma_semaphore, #tpu.memory_space<semaphore_mem>>)
    %dma_start3A_23 = arith.constant 512 : i32
    %dma_start3A_24 = tpu.memref_slice %arg8[%dma_start3A_23] : memref<1024xf32, #tpu.memory_space<vmem>> -> memref<512xf32, #tpu.memory_space<vmem>>
    %dma_start3A_25 = tpu.memref_slice %arg6[%mul3A_2] : memref<16384xf32, #tpu.memory_space<hbm>> -> memref<512xf32, #tpu.memory_space<hbm>>
    %dma_start3A_26 = tpu.memref_slice %arg6[%mul3A_2] : memref<16384xf32, #tpu.memory_space<hbm>> -> memref<512xf32, #tpu.memory_space<hbm>>
    %dma_start3A_27 = arith.constant 512 : i32
    %dma_start3A_28 = tpu.memref_slice %arg8[%dma_start3A_27] : memref<1024xf32, #tpu.memory_space<vmem>> -> memref<512xf32, #tpu.memory_space<vmem>>
    tpu.enqueue_dma source(%dma_start3A_28 : memref<512xf32, #tpu.memory_space<vmem>>) target(%dma_start3A_26 : memref<512xf32, #tpu.memory_space<hbm>>) target_semaphore(%arg9 : memref<!tpu.dma_semaphore, #tpu.memory_space<semaphore_mem>>)
    %dma_wait3A_29 = arith.constant 0 : i32
    %dma_wait3A_30 = tpu.memref_slice %arg8[%dma_wait3A_29] : memref<1024xf32, #tpu.memory_space<vmem>> -> memref<512xf32, #tpu.memory_space<vmem>>
    %dma_wait3A_31 = tpu.memref_slice %arg5[%mul3A_2] : memref<16384xf32, #tpu.memory_space<hbm>> -> memref<512xf32, #tpu.memory_space<hbm>>
    %dma_wait3A_32 = tpu.memref_slice %arg5[%mul3A_2] : memref<16384xf32, #tpu.memory_space<hbm>> -> memref<512xf32, #tpu.memory_space<hbm>>
    %dma_wait3A_33 = arith.constant 0 : i32
    %dma_wait3A_34 = tpu.memref_slice %arg8[%dma_wait3A_33] : memref<1024xf32, #tpu.memory_space<vmem>> -> memref<512xf32, #tpu.memory_space<vmem>>
    tpu.wait_dma2 semaphore(%arg9 : memref<!tpu.dma_semaphore, #tpu.memory_space<semaphore_mem>>) src(%dma_wait3A_34 : memref<512xf32, #tpu.memory_space<vmem>>) dst(%dma_wait3A_32 : memref<512xf32, #tpu.memory_space<hbm>>)
    %dma_wait3A_35 = arith.constant 512 : i32
    %dma_wait3A_36 = tpu.memref_slice %arg8[%dma_wait3A_35] : memref<1024xf32, #tpu.memory_space<vmem>> -> memref<512xf32, #tpu.memory_space<vmem>>
    %dma_wait3A_37 = tpu.memref_slice %arg6[%mul3A_2] : memref<16384xf32, #tpu.memory_space<hbm>> -> memref<512xf32, #tpu.memory_space<hbm>>
    %dma_wait3A_38 = tpu.memref_slice %arg6[%mul3A_2] : memref<16384xf32, #tpu.memory_space<hbm>> -> memref<512xf32, #tpu.memory_space<hbm>>
    %dma_wait3A_39 = arith.constant 512 : i32
    %dma_wait3A_40 = tpu.memref_slice %arg8[%dma_wait3A_39] : memref<1024xf32, #tpu.memory_space<vmem>> -> memref<512xf32, #tpu.memory_space<vmem>>
    tpu.wait_dma2 semaphore(%arg9 : memref<!tpu.dma_semaphore, #tpu.memory_space<semaphore_mem>>) src(%dma_wait3A_40 : memref<512xf32, #tpu.memory_space<vmem>>) dst(%dma_wait3A_38 : memref<512xf32, #tpu.memory_space<hbm>>)
    return
  }
}

</mosaic_0001>

<sc_bundles>
// kernel: kernel.4.cloned.1.call-start
scs
__scs_entry_jumppad:
0x0: {  	(pc) =	sbr.rel $0x88, $3  }
0x1: {  	(tag) =	ssettag $0x0;
	lr =	simm.s32 $0x1  }
0x2: {  	[smem:$0x3F9E] =	sst lr;
	_ =	strace $0xD0000000  }
0x3: {  	_ = 	snop  }
0x4: {  	_ = 	snop  }
0x5: {  	_ = 	snop  }
0x6: {  	_ = 	snop  }
0x7: {  	_ = 	snop  }
__scs_overlays_trampoline_lowered:
0x8: {  	[smem:$0x3FAD] =	sst s0  }
0x9: {  	[smem:$0x3FAE] =	sst s1  }
0xa: {  	[smem:$0x3FAF] =	sst s2  }
0xb: {  	[smem:$0x3FB0] =	sst s3  }
0xc: {  	[smem:$0x3FB1] =	sst s4  }
0xd: {  	[smem:$0x3FB2] =	sst s5  }
0xe: {  	[smem:$0x3FB3] =	sst s6  }
0xf: {  	[smem:$0x3FB4] =	sst s7  }
0x10: {  	[smem:$0x3FB5] =	sst s8  }
0x11: {  	[smem:$0x3FB6] =	sst s9;
	s0 =	simm.s32 @!p0 $0x0  }
0x12: {  	s1 =	sld [smem:$0x3F9C];
	s0 =	simm.s32 @p0 $0x1  }
0x13: {  	[smem:$0x3FB7] =	sst s0;
	s0 =	simm.s32 @!p1 $0x0  }
0x14: {  	s2 =	sld [smem:$0x3F9B];
	s0 =	simm.s32 @p1 $0x1  }
0x15: {  	[smem:$0x3FB8] =	sst s0;
	s0 =	simm.s32 @!p2 $0x0  }
0x16: {  	s3 =	sld [smem:$0x3FDB];
	s0 =	simm.s32 @p2 $0x1  }
0x17: {  	s4 =	simm.s32 $0x1BF5;
	[smem:$0x3FBA] =	sst s0  }
0x18: {  	s0 =	sld [smem:$0x3F9D];
	_ =	swait.ge [sflag:s4], $0x0  }
0x19: {  	s7 =	sld [smem:$0x3F9E]  }
0x1a: {  	s8 =	sadd.s32 $0xFFFFE003, lr  }
0x1b: {  	s9 =	sadd.s32 $0xFFFFFEF7, lr;
	s5 =	simm.s32 $0xFFFFFFFF;
	p2 =	slt.u32 s8, $0xFFFFF086  }
0x1c: {  	p1 =	slt.u32 s9, $0xF7A;
	s5 =	simm.s32 @!p2 $0x0  }
0x1d: {  	s5 =	simm.s32 @p1 $0x1;
	p0 =	seq.s32 s7, s2  }
0x1e: {  	s7 =	smul.u32 @!p0 $0xF7A, s2;
	p2 =	seq.s32 @!p0 s5, $0x0  }
0x1f: {  	s9 =	smul.u32 $0xF7A, s1;
	s8 =	simm.s32 @!p0 $0x1BF5;
	p2 =	por !p2, p0  }
0x20: {  	[sflag:s8] =	ssyncset.s32 @!p0 $0xFFFFF086;
	s6 =	sadd.s32 @!p0 s3, s7;
	s7 =	simm.s32 @!p0 $0x108  }
0x21: {  	s3 =	sadd.s32 s3, s9;
	s6 =	sadd.s32 @!p0 $0x88, s6;
	s7 =	simm.s32 @p2 $0x1082  }
0x22: {  	[simem:s7], [sflag:s8] =	dma.local @!p0 [hbm:s6], $0xF7A  }
0x23: {  	s9 =	sor.u32 $0xD0000000, s2;
	s6 =	simm.s32 $0x108;
	_ =	swait.ge @!p0 [sflag:s8], $0x0  }
0x24: {  	s3 =	sadd.s32 $0x88, s3;
	s6 =	simm.s32 @!p1 $0x1082;
	[sflag:s4] =	ssyncset.s32 $0xFFFFF086  }
0x25: {  	[simem:s6], [sflag:s4] =	dma.local [hbm:s3], $0xF7A  }
0x26: {  	[smem:$0x3F9E] =	sst s1;
	(tag) =	ssettag s2;
	_ =	strace s9  }
0x27: {  	s1 =	sld [smem:$0x3FAE]  }
0x28: {  	s2 =	sld [smem:$0x3FAF]  }
0x29: {  	s4 =	sld [smem:$0x3FB1]  }
0x2a: {  	p0 =	seq.s32 s5, $0x0;
	s5 =	sld [smem:$0x3FB2]  }
0x2b: {  	s6 =	sld [smem:$0x3FB3]  }
0x2c: {  	s7 =	sld [smem:$0x3FB4]  }
0x2d: {  	s3 =	simm.s32 $0x108;
	s8 =	sld [smem:$0x3FB5]  }
0x2e: {  	s3 =	simm.s32 @!p0 $0x1082;
	s9 =	sld [smem:$0x3FB6]  }
0x2f: {  	lr =	sadd.s32 s0, s3;
	s0 =	sld [smem:$0x3FAD]  }
0x30: {  	s3 =	sld [smem:$0x3FB0]  }
0x31: {  	[smem:$0x3FB9] =	sst s10  }
0x32: {  	s10 =	sld [smem:$0x3FB7];
	_ =	sdelay $0x3  }
0x33: {  	p0 =	seq.s32 s10, $0x1;
	s10 =	sld [smem:$0x3FB9];
	_ =	sdelay $0x3  }
0x34: {  	[smem:$0x3FB9] =	sst s10  }
0x35: {  	s10 =	sld [smem:$0x3FB8];
	_ =	sdelay $0x3  }
0x36: {  	p1 =	seq.s32 s10, $0x1;
	s10 =	sld [smem:$0x3FB9];
	_ =	sdelay $0x3  }
0x37: {  	[smem:$0x3FB9] =	sst s10  }
0x38: {  	s10 =	sld [smem:$0x3FBA]  }
0x39: {  	_ = 	snop;
	(pc) =	sbr.ind lr, $3  }
0x3a: {  	_ = 	snop  }
0x3b: {  	_ = 	snop  }
0x3c: {  	p2 =	seq.s32 s10, $0x1;
	s10 =	sld [smem:$0x3FB9]  }
0x3d: {  	_ =	shalt  }
0x3e: {  	_ =	shalt  }
0x3f: {  	_ =	shalt  }
0x40: {  	_ =	shalt  }
0x41: {  	_ =	shalt  }
0x42: {  	_ =	shalt  }
0x43: {  	_ =	shalt  }
0x44: {  	_ =	shalt  }
0x45: {  	_ =	shalt  }
0x46: {  	_ =	shalt  }
0x47: {  	_ =	shalt  }
0x48: {  	_ =	shalt  }
0x49: {  	_ =	shalt  }
0x4a: {  	_ =	shalt  }
0x4b: {  	_ =	shalt  }
0x4c: {  	_ =	shalt  }
0x4d: {  	_ =	shalt  }
0x4e: {  	_ =	shalt  }
0x4f: {  	_ =	shalt  }
0x50: {  	_ =	shalt  }
0x51: {  	_ =	shalt  }
0x52: {  	_ =	shalt  }
0x53: {  	_ =	shalt  }
0x54: {  	_ =	shalt  }
0x55: {  	_ =	shalt  }
0x56: {  	_ =	shalt  }
0x57: {  	_ =	shalt  }
0x58: {  	_ =	shalt  }
0x59: {  	_ =	shalt  }
0x5a: {  	_ =	shalt  }
0x5b: {  	_ =	shalt  }
0x5c: {  	_ =	shalt  }
0x5d: {  	_ =	shalt  }
0x5e: {  	_ =	shalt  }
0x5f: {  	_ =	shalt  }
0x60: {  	_ =	shalt  }
0x61: {  	_ =	shalt  }
0x62: {  	_ =	shalt  }
0x63: {  	_ =	shalt  }
0x64: {  	_ =	shalt  }
0x65: {  	_ =	shalt  }
0x66: {  	_ =	shalt  }
0x67: {  	_ =	shalt  }
0x68: {  	_ =	shalt  }
0x69: {  	_ =	shalt  }
0x6a: {  	_ =	shalt  }
0x6b: {  	_ =	shalt  }
0x6c: {  	_ =	shalt  }
0x6d: {  	_ =	shalt  }
0x6e: {  	_ =	shalt  }
0x6f: {  	_ =	shalt  }
0x70: {  	_ =	shalt  }
0x71: {  	_ =	shalt  }
0x72: {  	_ =	shalt  }
0x73: {  	_ =	shalt  }
0x74: {  	_ =	shalt  }
0x75: {  	_ =	shalt  }
0x76: {  	_ =	shalt  }
0x77: {  	_ =	shalt  }
0x78: {  	_ =	shalt  }
0x79: {  	_ =	shalt  }
0x7a: {  	_ =	shalt  }
0x7b: {  	_ =	shalt  }
0x7c: {  	_ =	shalt  }
0x7d: {  	_ =	shalt  }
0x7e: {  	_ =	shalt  }
0x7f: {  	_ =	shalt  }
0x80: {  	_ =	shalt  }
0x81: {  	_ =	shalt  }
0x82: {  	_ =	shalt  }
0x83: {  	_ =	shalt  }
0x84: {  	_ =	shalt  }
0x85: {  	_ =	shalt  }
0x86: {  	_ =	shalt  }
0x87: {  	_ =	shalt  }
.Lfunc_end0:
.L_simem_size_0:
called_computation_lowered:
.L_overlay_start_0:
0x88: {  	s2 =	sld [smem:$0x3FD9]  }
0x89: {  	s3 =	sld [smem:$0x3FFE];
	_ =	sdelay $0x1  }
0x8a: {  	s1 =	srdreg.scid  }
0x8b: {  	s0 =	sand.u32 $0x1, s1  }
0x8c: {  	s17 =	sshll.u32 s0, $0xA;
	s2 =	sadd.s32 s3, s2  }
0x8d: {  	s2 =	sadd.s32 s2, s17  }
0x8e: {  	[smem:$0x3FC5] =	sst s2  }
0x8f: {  	_ = 	snop  }
0x90: {  	s18 =	sld [smem:$0x3FC9];
	(tm) =	ssettm $0x1  }
0x91: {  	s19 =	sld [smem:$0x3FFB];
	_ =	sdelay $0x3  }
0x92: {  	_ =	strace s19  }
0x93: {  	s2 =	sld [smem:$0x3FFC];
	_ =	sdelay $0x3  }
0x94: {  	_ =	strace s2  }
0x95: {  	s2 =	sld [smem:$0x3FFD];
	_ =	sdelay $0x3  }
0x96: {  	_ =	strace s2  }
0x97: {  	_ =	strace $0x8FFFFFFF  }
0x98: {  	s20 =	sld [smem:$0x3FDB];
	_ =	sdelay $0x1  }
0x99: {  	s4 =	simm.s32 $_scs_section_size  }
0x9a: {  	s5 =	simm.s32 $_size__tile_overlayer_lowered;
	s6 =	simm.s32 $_tile_overlayer_lowered  }
0x9b: {  	s7 =	simm.s32 $0x1BFF;
	s21 =	sshll.u32 s6, $0x1;
	s4 =	sadd.s32 s4, s20  }
0x9c: {  	s22 =	simm.s32 $0x0;
	s5 =	sshll.u32 s5, $0x1;
	s6 =	sadd.s32 s21, s4  }
0x9d: {  	[timem:s22], [sflag:s7] =	dma.local [hbm:s6], s5  }
0x9e: {  	_ =	swait.ge [sflag:s7], s5  }
0x9f: {  	s5 =	ssub.s32 $0x0, s5;
	[sflag:s7] =	ssyncset.done $0x0  }
0xa0: {  	[sflag:s7] =	ssyncadd.s32 s5;
	_ =	sdelay $0x1  }
0xa1: {  	s23 =	simm.s32 $0x1B8B  }
0xa2: {  	_ =	swait.ge [sflag:s23], $0x1  }
0xa3: {  	[sflag:s23] =	ssyncset.done $0x0  }
0xa4: {  	[sflag:s23] =	ssyncadd.s32 $0xFFFFFFFF  }
0xa5: {  	s5 =	sld [smem:$0x0]  }
0xa6: {  	s6 =	sand.u32 $0xFFFFFFFE, s1  }
0xa7: {  	p0 =	sne.s32 s1, s6  }
0xa8: {  	s6 =	sshll.u32 @p0 s6, $0xE  }
0xa9: {  	s6 =	sadd.s32 @p0 $0x11B8D, s6;
	s7 =	sshll.u32 @p0 s5, $0x11  }
0xaa: {  	s6 =	sor.u32 @p0 s7, s6  }
0xab: {  	[sflag:s6] =	ssyncadd.remote.s32 @p0 $0x1;
	_ =	sdelay $0x1  }
0xac: {  	s6 =	simm.s32 @p0 $0x1B8D  }
0xad: {  	_ =	swait.eq @p0 [sflag:s6], $0x1  }
0xae: {  	[sflag:s6] =	ssyncadd.s32 @p0 $0xFFFFFFFF  }
0xaf: {  	s7 =	sshll.u32 @!p0 s1, $0xE  }
0xb0: {  	s7 =	sor.u32 @!p0 $0x4000, s7;
	s6 =	simm.s32 @!p0 $0x1B8D  }
0xb1: {  	s5 =	sshll.u32 @!p0 s5, $0x11;
	s7 =	sadd.s32 @!p0 $0x11B8D, s7;
	_ =	swait.eq @!p0 [sflag:s6], $0x1  }
0xb2: {  	s5 =	sor.u32 @!p0 s5, s7;
	[sflag:s6] =	ssyncadd.s32 @!p0 $0xFFFFFFFF  }
0xb3: {  	s25 =	simm.s32 $0x1B8E;
	s24 =	sld [smem:$0x3FFE];
	[sflag:s5] =	ssyncadd.remote.s32 @!p0 $0x1  }
0xb4: {  	s26 =	simm.s32 $execute0_lowered;
	[smem:$0x3FD2] =	sst s25  }
0xb5: {  	s6 =	sshll.u32 s26, $0x1;
	_ =	strace $0x80000049;
	[dreg:$0x1] =	wrdreg $0xFFFFFFFF  }
0xb6: {  	s28 =	simm.s32 $_size_execute0_lowered;
	s4 =	sadd.s32 s4, s6;
	[dreg:$0x0] =	wrdreg $0x0  }
0xb7: {  	s6 =	sshll.u32 s28, $0x1;
	[dreg:$0x2] =	wrdreg s4  }
0xb8: {  	[dreg:$0x3] =	wrdreg s6  }
0xb9: {  	[dreg:$0x4] =	wrdreg $0xC0  }
0xba: {  	_ =	task [dreg:s22], $0x5FFFF  }
0xbb: {  	[dreg:$0x1] =	wrdreg $0xFFFFFFFF  }
0xbc: {  	[dreg:$0x0] =	wrdreg $0x60  }
0xbd: {  	[dreg:$0x2] =	wrdreg s18  }
0xbe: {  	[dreg:$0x3] =	wrdreg s24  }
0xbf: {  	[dreg:$0x4] =	wrdreg $0x9  }
0xc0: {  	_ =	task.clear_ibuf [dreg:s22], $0x5FFFF;
	_ =	strace $0x90000049  }
0xc1: {  	s29 =	simm.s32 $0x9;
	_ =	strace $0x8000004B  }
0xc2: {  	_ =	swait.ge [sflag:s29], $0x1  }
0xc3: {  	[sflag:s29] =	ssyncadd.s32 $0xFFFFFFFF  }
0xc4: {  	_ =	strace $0x9000004B  }
0xc5: {  	_ =	sfence  }
0xc6: {  	s30 =	sld [smem:$0x0];
	_ =	sdelay $0x2  }
0xc7: {  	s31 =	sshll.u32 s1, $0xD;
	s1 =	sshrl.u32 s1, $0x2  }
0xc8: {  	s4 =	sand.u32 $0x4000, s31;
	s1 =	sadd.s32 s1, s30  }
0xc9: {  	s0 =	sor.u32 s4, s0;
	s1 =	sshll.u32 s1, $0x11  }
0xca: {  	s0 =	sor.u32 s1, s0  }
0xcb: {  	s0 =	sadd.s32 $0x8F2B, s0  }
0xcc: {  	[sflag:s0] =	ssyncadd.remote.s32 $0x1  }
0xcd: {  	_ =	sfence.sel $0xFFFF  }
0xce: {  	[dreg:$0x0] =	wrdreg $0xFFFFFFFF;
	(pc) =	sbr.abs _section_cstart, $3  }
0xcf: {  	[dreg:$0x1] =	wrdreg $0xFFFFFFFF  }
0xd0: {  	_ =	task.clear_ibuf [dreg:s22], $0x2FFFF;
	_ =	strace $0x9FFFFFFF  }
0xd1: {  	(tm) =	ssettm $0x7FFFFFFF  }
tec
execute0_lowered:
.L_overlay_start_1:
0x0: {  	(tag) =	ssettag $0x1  }
0x1: {  	s3 =	rddreg [dreg:$0x0]  }
0x2: {  	s10 =	rddreg [dreg:$0x1];
	s2 =	srdreg.scid  }
0x3: {  	s0 =	rddreg [dreg:$0x2];
	s1 =	stileid.u32;
	s11 =	sand.u32 $0x1, s2  }
0x4: {  	s2 =	simm.s32 $0x0;
	s4 =	sshll.u32 s1, $0x7;
	s5 =	sshll.u32 s11, $0x6  }
0x5: {  	[smem:$0x7FF] =	sst s2;
	s12 =	sor.u32 s5, s4  }
0x6: {  	_ =	strace $0x8000004A;
	s4 =	simm.s32 $0x2;
	s3 =	sadd.s32 s3, s12  }
0x7: {  	[tilespmem:s2], [sflag:$0x2] =	stream.linear.gather [hbm4b:s3+s2], $0x200, $0x38;
	[tilespmem:$0x600] =	vst v63  }
0x8: {  	_ =	swait.ge [sflag:s4], $0x200  }
0x9: {  	[sflag:s4] =	ssyncset.done $0x0  }
0xa: {  	s6 =	simm.s32 $0x200;
	s5 =	sadd.s32 $0x9CA00, s10;
	[sflag:s4] =	ssyncadd.s32 $0xFFFFFE00  }
0xb: {  	[tilespmem:s6], [sflag:$0x1] =	stream.indirect.gather [hbm4b:s5+s6], $0x1, s2, s6, $0xb8;
	[tilespmem:$0x600] =	vst v63  }
0xc: {  	s9 =	simm.s32 $0x400;
	s8 =	simm.s32 $0x1;
	s7 =	sadd.s32 $0x7E000, s10  }
0xd: {  	[tilespmem:s9], [sflag:$0x1] =	stream.indirect.gather [hbm4b:s7+s6], $0x1, s2, s6, $0xb8;
	[tilespmem:$0x600] =	vst v63  }
0xe: {  	_ =	swait.ge [sflag:s8], $0x200  }
0xf: {  	[sflag:s8] =	ssyncset.done $0x0  }
0x10: {  	s13 =	ssub.s32 $0x2, s11;
	s12 =	sadd.s32 s12, s10;
	[sflag:s8] =	ssyncadd.s32 $0xFFFFFE00  }
0x11: {  	s31 =	sshrl.u32 s13, $0x1;
	s10 =	sadd.s32 $0xBB400, s12;
	_ =	swait.ge [sflag:s8], $0x200  }
0x12: {  	s11 =	sadd.s32 $0xBBC00, s12;
	s12 =	ssub.s32 s13, s31;
	[sflag:s8] =	ssyncset.done $0x0  }
0x13: {  	s12 =	smax.u32 s12, $0x1;
	[sflag:s8] =	ssyncadd.s32 $0xFFFFFE00  }
0x14: {  	[hbm4b:s10+s2] =	stream.linear.scatter [tilespmem:s6], [sflag:$0x1], $0x200, $0x38;
	[tilespmem:$0x600] =	vst v63  }
0x15: {  	p0 =	sne.s32 s12, $0x1  }
0x16: {  	[hbm4b:s11+s2] =	stream.linear.scatter [tilespmem:s9], [sflag:$0x1], $0x200, $0x38;
	[tilespmem:$0x600] =	vst v63  }
.Ltmp0:
0x17: {  	_ =	swait.ge [sflag:s8], $0x200;
	(pc) =	sbr.rel @!p0 .LBB2_2-.Ltmp0, $4  }
0x18: {  	[sflag:s8] =	ssyncset.done $0x0  }
0x19: {  	[sflag:s8] =	ssyncadd.s32 $0xFFFFFE00  }
0x1a: {  	_ =	swait.ge [sflag:s8], $0x200  }
0x1b: {  	s12 =	sadd.s32 $0xFFFFFFFF, s12;
	[sflag:s8] =	ssyncset.done $0x0  }
.LBB2_1:
0x1c: {  	p0 =	sne.s32 s12, $0x1;
	s12 =	sadd.s32 $0xFFFFFFFF, s12;
	[sflag:s8] =	ssyncadd.s32 $0xFFFFFE00  }
0x1d: {  	[tilespmem:s2], [sflag:$0x2] =	stream.linear.gather [hbm4b:s3+s2], $0x200, $0x38;
	[tilespmem:$0x600] =	vst v63  }
0x1e: {  	_ =	swait.ge [sflag:s4], $0x200  }
0x1f: {  	[sflag:s4] =	ssyncset.done $0x0  }
0x20: {  	[sflag:s4] =	ssyncadd.s32 $0xFFFFFE00  }
0x21: {  	[tilespmem:s6], [sflag:$0x1] =	stream.indirect.gather [hbm4b:s5+s6], $0x1, s2, s6, $0xb8;
	[tilespmem:$0x600] =	vst v63  }
0x22: {  	_ = 	snop  }
0x23: {  	[tilespmem:s9], [sflag:$0x1] =	stream.indirect.gather [hbm4b:s7+s6], $0x1, s2, s6, $0xb8;
	[tilespmem:$0x600] =	vst v63  }
0x24: {  	_ =	swait.ge [sflag:s8], $0x200  }
0x25: {  	[sflag:s8] =	ssyncset.done $0x0  }
0x26: {  	[sflag:s8] =	ssyncadd.s32 $0xFFFFFE00  }
0x27: {  	_ =	swait.ge [sflag:s8], $0x200  }
0x28: {  	[sflag:s8] =	ssyncset.done $0x0  }
0x29: {  	[sflag:s8] =	ssyncadd.s32 $0xFFFFFE00  }
0x2a: {  	[hbm4b:s10+s2] =	stream.linear.scatter [tilespmem:s6], [sflag:$0x1], $0x200, $0x38;
	[tilespmem:$0x600] =	vst v63  }
0x2b: {  	_ = 	snop  }
0x2c: {  	[hbm4b:s11+s2] =	stream.linear.scatter [tilespmem:s9], [sflag:$0x1], $0x200, $0x38;
	[tilespmem:$0x600] =	vst v63  }
.Ltmp1:
0x2d: {  	_ =	swait.ge [sflag:s8], $0x200;
	(pc) =	sbr.rel @p0 .LBB2_1-.Ltmp1, $4  }
0x2e: {  	[sflag:s8] =	ssyncset.done $0x0  }
0x2f: {  	[sflag:s8] =	ssyncadd.s32 $0xFFFFFE00  }
0x30: {  	_ =	swait.ge [sflag:s8], $0x200  }
0x31: {  	[sflag:s8] =	ssyncset.done $0x0  }
.LBB2_2:
0x32: {  	[sflag:s8] =	ssyncadd.s32 $0xFFFFFE00  }
0x33: {  	_ =	sfence.sel $0x180000  }
0x34: {  	[bflag:$0x0] =	sbarrier.arrive $0xFFFF  }
0x35: {  	p0 =	sne.s32 s1, $0x0;
	_ =	strace $0x9000004A  }
0x36: {  	s0 =	sadd.s32 @!p0 $0x100000, s0;
	[bflag:$0x2] =	sbarrier.arrive $0xFFFF  }
0x37: {  	[sflag:s0] =	ssyncadd.tile.s32 @!p0 $0x1;
	_ =	shalt  }
.Lfunc_end2:
_tile_overlayer_lowered:
.L_overlay_start_2:
0x38: {  	(tag) =	ssettag $0x2  }
0x39: {  	s0 =	rddreg [dreg:$0x0];
	s2 =	stileid.u32  }
0x3a: {  	s1 =	rddreg [dreg:$0x1];
	p0 =	sne.s32 s2, $0x0  }
0x3b: {  	s3 =	rddreg [dreg:$0x2];
	[bflag:$0x3] =	sbarrier.arrive $0xFFFF;
	s2 =	simm.s32 @!p0 $0x1C02  }
0x3c: {  	[timem:s3], [sflag:s2] =	dma.local @!p0 [hbm:s0], s1  }
0x3d: {  	s0 =	simm.s32 @!p0 $0x2  }
0x3e: {  	_ =	swait.ge @!p0 [sflag:s0], s1  }
0x3f: {  	s1 =	ssub.s32 @!p0 $0x0, s1;
	[sflag:s0] =	ssyncset.done @!p0 $0x0  }
0x40: {  	[sflag:s0] =	ssyncadd.s32 @!p0 s1  }
0x41: {  	[bflag:$0x3] =	sbarrier.arrive $0xFFFF  }
0x42: {  	_ =	shalt  }

// kernel: kernel.7.cloned.1.call-start
scs
__scs_entry_jumppad:
0x0: {  	(pc) =	sbr.rel $0x88, $3  }
0x1: {  	(tag) =	ssettag $0x0;
	lr =	simm.s32 $0x1  }
0x2: {  	[smem:$0x3F9E] =	sst lr;
	_ =	strace $0xD0000000  }
0x3: {  	_ = 	snop  }
0x4: {  	_ = 	snop  }
0x5: {  	_ = 	snop  }
0x6: {  	_ = 	snop  }
0x7: {  	_ = 	snop  }
__scs_overlays_trampoline_lowered:
0x8: {  	[smem:$0x3FAD] =	sst s0  }
0x9: {  	[smem:$0x3FAE] =	sst s1  }
0xa: {  	[smem:$0x3FAF] =	sst s2  }
0xb: {  	[smem:$0x3FB0] =	sst s3  }
0xc: {  	[smem:$0x3FB1] =	sst s4  }
0xd: {  	[smem:$0x3FB2] =	sst s5  }
0xe: {  	[smem:$0x3FB3] =	sst s6  }
0xf: {  	[smem:$0x3FB4] =	sst s7  }
0x10: {  	[smem:$0x3FB5] =	sst s8  }
0x11: {  	[smem:$0x3FB6] =	sst s9;
	s0 =	simm.s32 @!p0 $0x0  }
0x12: {  	s1 =	sld [smem:$0x3F9C];
	s0 =	simm.s32 @p0 $0x1  }
0x13: {  	[smem:$0x3FB7] =	sst s0;
	s0 =	simm.s32 @!p1 $0x0  }
0x14: {  	s2 =	sld [smem:$0x3F9B];
	s0 =	simm.s32 @p1 $0x1  }
0x15: {  	[smem:$0x3FB8] =	sst s0;
	s0 =	simm.s32 @!p2 $0x0  }
0x16: {  	s3 =	sld [smem:$0x3FDB];
	s0 =	simm.s32 @p2 $0x1  }
0x17: {  	s4 =	simm.s32 $0x1BF5;
	[smem:$0x3FBA] =	sst s0  }
0x18: {  	s0 =	sld [smem:$0x3F9D];
	_ =	swait.ge [sflag:s4], $0x0  }
0x19: {  	s7 =	sld [smem:$0x3F9E]  }
0x1a: {  	s8 =	sadd.s32 $0xFFFFE003, lr  }
0x1b: {  	s9 =	sadd.s32 $0xFFFFFEF7, lr;
	s5 =	simm.s32 $0xFFFFFFFF;
	p2 =	slt.u32 s8, $0xFFFFF086  }
0x1c: {  	p1 =	slt.u32 s9, $0xF7A;
	s5 =	simm.s32 @!p2 $0x0  }
0x1d: {  	s5 =	simm.s32 @p1 $0x1;
	p0 =	seq.s32 s7, s2  }
0x1e: {  	s7 =	smul.u32 @!p0 $0xF7A, s2;
	p2 =	seq.s32 @!p0 s5, $0x0  }
0x1f: {  	s9 =	smul.u32 $0xF7A, s1;
	s8 =	simm.s32 @!p0 $0x1BF5;
	p2 =	por !p2, p0  }
0x20: {  	[sflag:s8] =	ssyncset.s32 @!p0 $0xFFFFF086;
	s6 =	sadd.s32 @!p0 s3, s7;
	s7 =	simm.s32 @!p0 $0x108  }
0x21: {  	s3 =	sadd.s32 s3, s9;
	s6 =	sadd.s32 @!p0 $0x88, s6;
	s7 =	simm.s32 @p2 $0x1082  }
0x22: {  	[simem:s7], [sflag:s8] =	dma.local @!p0 [hbm:s6], $0xF7A  }
0x23: {  	s9 =	sor.u32 $0xD0000000, s2;
	s6 =	simm.s32 $0x108;
	_ =	swait.ge @!p0 [sflag:s8], $0x0  }
0x24: {  	s3 =	sadd.s32 $0x88, s3;
	s6 =	simm.s32 @!p1 $0x1082;
	[sflag:s4] =	ssyncset.s32 $0xFFFFF086  }
0x25: {  	[simem:s6], [sflag:s4] =	dma.local [hbm:s3], $0xF7A  }
0x26: {  	[smem:$0x3F9E] =	sst s1;
	(tag) =	ssettag s2;
	_ =	strace s9  }
0x27: {  	s1 =	sld [smem:$0x3FAE]  }
0x28: {  	s2 =	sld [smem:$0x3FAF]  }
0x29: {  	s4 =	sld [smem:$0x3FB1]  }
0x2a: {  	p0 =	seq.s32 s5, $0x0;
	s5 =	sld [smem:$0x3FB2]  }
0x2b: {  	s6 =	sld [smem:$0x3FB3]  }
0x2c: {  	s7 =	sld [smem:$0x3FB4]  }
0x2d: {  	s3 =	simm.s32 $0x108;
	s8 =	sld [smem:$0x3FB5]  }
0x2e: {  	s3 =	simm.s32 @!p0 $0x1082;
	s9 =	sld [smem:$0x3FB6]  }
0x2f: {  	lr =	sadd.s32 s0, s3;
	s0 =	sld [smem:$0x3FAD]  }
0x30: {  	s3 =	sld [smem:$0x3FB0]  }
0x31: {  	[smem:$0x3FB9] =	sst s10  }
0x32: {  	s10 =	sld [smem:$0x3FB7];
	_ =	sdelay $0x3  }
0x33: {  	p0 =	seq.s32 s10, $0x1;
	s10 =	sld [smem:$0x3FB9];
	_ =	sdelay $0x3  }
0x34: {  	[smem:$0x3FB9] =	sst s10  }
0x35: {  	s10 =	sld [smem:$0x3FB8];
	_ =	sdelay $0x3  }
0x36: {  	p1 =	seq.s32 s10, $0x1;
	s10 =	sld [smem:$0x3FB9];
	_ =	sdelay $0x3  }
0x37: {  	[smem:$0x3FB9] =	sst s10  }
0x38: {  	s10 =	sld [smem:$0x3FBA]  }
0x39: {  	_ = 	snop;
	(pc) =	sbr.ind lr, $3  }
0x3a: {  	_ = 	snop  }
0x3b: {  	_ = 	snop  }
0x3c: {  	p2 =	seq.s32 s10, $0x1;
	s10 =	sld [smem:$0x3FB9]  }
0x3d: {  	_ =	shalt  }
0x3e: {  	_ =	shalt  }
0x3f: {  	_ =	shalt  }
0x40: {  	_ =	shalt  }
0x41: {  	_ =	shalt  }
0x42: {  	_ =	shalt  }
0x43: {  	_ =	shalt  }
0x44: {  	_ =	shalt  }
0x45: {  	_ =	shalt  }
0x46: {  	_ =	shalt  }
0x47: {  	_ =	shalt  }
0x48: {  	_ =	shalt  }
0x49: {  	_ =	shalt  }
0x4a: {  	_ =	shalt  }
0x4b: {  	_ =	shalt  }
0x4c: {  	_ =	shalt  }
0x4d: {  	_ =	shalt  }
0x4e: {  	_ =	shalt  }
0x4f: {  	_ =	shalt  }
0x50: {  	_ =	shalt  }
0x51: {  	_ =	shalt  }
0x52: {  	_ =	shalt  }
0x53: {  	_ =	shalt  }
0x54: {  	_ =	shalt  }
0x55: {  	_ =	shalt  }
0x56: {  	_ =	shalt  }
0x57: {  	_ =	shalt  }
0x58: {  	_ =	shalt  }
0x59: {  	_ =	shalt  }
0x5a: {  	_ =	shalt  }
0x5b: {  	_ =	shalt  }
0x5c: {  	_ =	shalt  }
0x5d: {  	_ =	shalt  }
0x5e: {  	_ =	shalt  }
0x5f: {  	_ =	shalt  }
0x60: {  	_ =	shalt  }
0x61: {  	_ =	shalt  }
0x62: {  	_ =	shalt  }
0x63: {  	_ =	shalt  }
0x64: {  	_ =	shalt  }
0x65: {  	_ =	shalt  }
0x66: {  	_ =	shalt  }
0x67: {  	_ =	shalt  }
0x68: {  	_ =	shalt  }
0x69: {  	_ =	shalt  }
0x6a: {  	_ =	shalt  }
0x6b: {  	_ =	shalt  }
0x6c: {  	_ =	shalt  }
0x6d: {  	_ =	shalt  }
0x6e: {  	_ =	shalt  }
0x6f: {  	_ =	shalt  }
0x70: {  	_ =	shalt  }
0x71: {  	_ =	shalt  }
0x72: {  	_ =	shalt  }
0x73: {  	_ =	shalt  }
0x74: {  	_ =	shalt  }
0x75: {  	_ =	shalt  }
0x76: {  	_ =	shalt  }
0x77: {  	_ =	shalt  }
0x78: {  	_ =	shalt  }
0x79: {  	_ =	shalt  }
0x7a: {  	_ =	shalt  }
0x7b: {  	_ =	shalt  }
0x7c: {  	_ =	shalt  }
0x7d: {  	_ =	shalt  }
0x7e: {  	_ =	shalt  }
0x7f: {  	_ =	shalt  }
0x80: {  	_ =	shalt  }
0x81: {  	_ =	shalt  }
0x82: {  	_ =	shalt  }
0x83: {  	_ =	shalt  }
0x84: {  	_ =	shalt  }
0x85: {  	_ =	shalt  }
0x86: {  	_ =	shalt  }
0x87: {  	_ =	shalt  }
.Lfunc_end0:
.L_simem_size_0:
called_computation.1_lowered:
.L_overlay_start_0:
0x88: {  	s2 =	sld [smem:$0x3FD9]  }
0x89: {  	s3 =	sld [smem:$0x3FFE];
	_ =	sdelay $0x1  }
0x8a: {  	s1 =	srdreg.scid  }
0x8b: {  	s0 =	sand.u32 $0x1, s1  }
0x8c: {  	s14 =	sshll.u32 s0, $0xA;
	s2 =	sadd.s32 s3, s2  }
0x8d: {  	s2 =	sadd.s32 s2, s14  }
0x8e: {  	[smem:$0x3FC5] =	sst s2  }
0x8f: {  	_ = 	snop  }
0x90: {  	s2 =	sld [smem:$0x3FD0];
	_ =	sdelay $0x2  }
0x91: {  	s4 =	simm.s32 $0xB;
	s5 =	simm.s32 $0x10;
	s15 =	sld [smem:$0x3FC9]  }
0x92: {  	[smem:s5], [sflag:s4] =	dma.local [hbm:s2], $0x1  }
0x93: {  	_ =	swait.eq [sflag:s4], $0x1  }
0x94: {  	[sflag:s4] =	ssyncset.done $0x0  }
0x95: {  	s16 =	sld [smem:$0x10];
	[sflag:s4] =	ssyncadd.s32 $0xFFFFFFFF  }
0x96: {  	s17 =	sld [smem:$0x11];
	(tm) =	ssettm $0x1  }
0x97: {  	s18 =	sld [smem:$0x3FFB];
	_ =	sdelay $0x3  }
0x98: {  	_ =	strace s18  }
0x99: {  	s5 =	sld [smem:$0x3FFC];
	_ =	sdelay $0x3  }
0x9a: {  	_ =	strace s5  }
0x9b: {  	s5 =	sld [smem:$0x3FFD];
	_ =	sdelay $0x3  }
0x9c: {  	_ =	strace s5  }
0x9d: {  	_ =	strace $0x8FFFFFFF  }
0x9e: {  	s19 =	sld [smem:$0x3FDB];
	_ =	sdelay $0x1  }
0x9f: {  	s6 =	simm.s32 $_scs_section_size  }
0xa0: {  	s7 =	simm.s32 $_size__tile_overlayer_lowered;
	s8 =	simm.s32 $_tile_overlayer_lowered  }
0xa1: {  	s22 =	simm.s32 $0x1BFF;
	s21 =	sshll.u32 s8, $0x1;
	s5 =	sadd.s32 s6, s19  }
0xa2: {  	s9 =	simm.s32 $0x0;
	s20 =	sshll.u32 s7, $0x1;
	s7 =	sadd.s32 s21, s5  }
0xa3: {  	[timem:s9], [sflag:s22] =	dma.local [hbm:s7], s20  }
0xa4: {  	_ =	swait.ge [sflag:s22], s20  }
0xa5: {  	s6 =	ssub.s32 $0x0, s20;
	[sflag:s22] =	ssyncset.done $0x0  }
0xa6: {  	[sflag:s22] =	ssyncadd.s32 s6;
	_ =	sdelay $0x1  }
0xa7: {  	s23 =	simm.s32 $0x1B8B  }
0xa8: {  	_ =	swait.ge [sflag:s23], $0x1  }
0xa9: {  	[sflag:s23] =	ssyncset.done $0x0  }
0xaa: {  	s25 =	simm.s32 $0x1B8E;
	s24 =	sld [smem:$0x3FFE];
	[sflag:s23] =	ssyncadd.s32 $0xFFFFFFFF  }
0xab: {  	s26 =	simm.s32 $execute0_lowered;
	[smem:$0x3FD2] =	sst s25  }
0xac: {  	s7 =	sshll.u32 s26, $0x1;
	_ =	strace $0x80000046;
	[dreg:$0x1] =	wrdreg $0xFFFFFFFF  }
0xad: {  	s28 =	simm.s32 $_size_execute0_lowered;
	s5 =	sadd.s32 s5, s7;
	[dreg:$0x0] =	wrdreg $0x0  }
0xae: {  	s7 =	sshll.u32 s28, $0x1;
	[dreg:$0x2] =	wrdreg s5  }
0xaf: {  	[dreg:$0x3] =	wrdreg s7  }
0xb0: {  	[dreg:$0x4] =	wrdreg $0xC0  }
0xb1: {  	_ =	task [dreg:s9], $0x5FFFF  }
0xb2: {  	[dreg:$0x1] =	wrdreg $0xFFFFFFFF  }
0xb3: {  	[dreg:$0x0] =	wrdreg $0x60  }
0xb4: {  	[dreg:$0x2] =	wrdreg s15  }
0xb5: {  	[dreg:$0x3] =	wrdreg s24  }
0xb6: {  	[dreg:$0x4] =	wrdreg s17  }
0xb7: {  	[dreg:$0x5] =	wrdreg s16  }
0xb8: {  	[dreg:$0x6] =	wrdreg $0xA  }
0xb9: {  	_ =	task.clear_ibuf [dreg:s9], $0x7FFFF;
	_ =	strace $0x90000046  }
0xba: {  	s29 =	simm.s32 $0xA;
	_ =	strace $0x80000048  }
0xbb: {  	_ =	swait.ge [sflag:s29], $0x1  }
0xbc: {  	[sflag:s29] =	ssyncadd.s32 $0xFFFFFFFF  }
0xbd: {  	_ =	strace $0x90000048  }
0xbe: {  	_ =	sfence  }
0xbf: {  	s30 =	sld [smem:$0x0];
	_ =	sdelay $0x2  }
0xc0: {  	s31 =	sshll.u32 s1, $0xD;
	s1 =	sshrl.u32 s1, $0x2  }
0xc1: {  	s3 =	sand.u32 $0x4000, s31;
	s1 =	sadd.s32 s1, s30  }
0xc2: {  	s0 =	sor.u32 s3, s0;
	s1 =	sshll.u32 s1, $0x11  }
0xc3: {  	s0 =	sor.u32 s1, s0  }
0xc4: {  	s0 =	sadd.s32 $0x8F2B, s0  }
0xc5: {  	[sflag:s0] =	ssyncadd.remote.s32 $0x1  }
0xc6: {  	_ =	sfence.sel $0xFFFF  }
0xc7: {  	[dreg:$0x0] =	wrdreg $0xFFFFFFFF;
	(pc) =	sbr.abs _section_cstart, $3  }
0xc8: {  	[dreg:$0x1] =	wrdreg $0xFFFFFFFF  }
0xc9: {  	_ =	task.clear_ibuf [dreg:s9], $0x2FFFF;
	_ =	strace $0x9FFFFFFF  }
0xca: {  	(tm) =	ssettm $0x7FFFFFFF  }
0xcb: {  	_ =	shalt  }
tec
execute0_lowered:
.L_overlay_start_1:
0x0: {  	(tag) =	ssettag $0x1  }
0x1: {  	s0 =	rddreg [dreg:$0x0]  }
0x2: {  	s1 =	rddreg [dreg:$0x1]  }
0x3: {  	s3 =	rddreg [dreg:$0x2]  }
0x4: {  	s9 =	rddreg [dreg:$0x3];
	s2 =	simm.s32 $0x0;
	s6 =	srdreg.scid  }
0x5: {  	s7 =	stileid.u32;
	s18 =	simm.s32 $0x3;
	s19 =	simm.s32 $0x200  }
0x6: {  	s23 =	simm.s32 $0x1;
	s28 =	simm.s32 $0x1000;
	s29 =	simm.s32 $0x1200  }
0x7: {  	s30 =	simm.s32 $0x1400;
	s31 =	simm.s32 $0x1600;
	s20 =	simm.s32 $0x2  }
0x8: {  	s21 =	simm.s32 $0x0;
	[smem:$0x7FF] =	sst s2;
	s4 =	sadd.s32 $0x5BE00, s1  }
0x9: {  	s5 =	sadd.s32 $0x3D400, s1;
	s6 =	sand.u32 $0x1, s6;
	s7 =	sshll.u32 s7, $0x7  }
0xa: {  	_ =	strace $0x80000047;
	s8 =	sshll.u32 s6, $0x6;
	s10 =	ssub.s32 $0x2, s6  }
0xb: {  	s6 =	sadd.s32 $0x1EA00, s1;
	s11 =	sor.u32 s8, s7;
	s26 =	sshrl.u32 s10, $0x1  }
0xc: {  	s16 =	sadd.s32 s11, s1;
	s17 =	ssub.s32 s10, s26;
	s7 =	sadd.s32 s0, s11  }
0xd: {  	s8 =	sadd.s32 s3, s11;
	s9 =	sadd.s32 s9, s11;
	s0 =	simm.s32 $0x1800  }
0xe: {  	s3 =	simm.s32 $0x1A00;
	s10 =	sadd.s32 $0x7A800, s16;
	s11 =	sadd.s32 $0x7B000, s16  }
0xf: {  	s12 =	sadd.s32 $0x7B800, s16;
	s13 =	sadd.s32 $0x7C000, s16;
	s14 =	sadd.s32 $0x7C800, s16  }
0x10: {  	s15 =	sadd.s32 $0x7D000, s16;
	s16 =	sadd.s32 $0x7D800, s16;
	s17 =	smax.u32 s17, $0x1  }
.LBB2_1:
0x11: {  	[tilespmem:s2], [sflag:$0x3] =	stream.linear.gather [hbm4b:s7+s2], $0x200, $0x38;
	[tilespmem:$0x1C00] =	vst v63  }
0x12: {  	_ =	swait.ge [sflag:s18], $0x200  }
0x13: {  	[sflag:s18] =	ssyncset.done $0x0  }
0x14: {  	[sflag:s18] =	ssyncadd.s32 $0xFFFFFE00  }
0x15: {  	[tilespmem:s19], [sflag:$0x1] =	stream.indirect.gather [hbm4b:s4+s19], $0x1, s2, s19, $0xb8;
	[tilespmem:$0x1C00] =	vst v63  }
0x16: {  	s22 =	simm.s32 $0x400  }
0x17: {  	[tilespmem:s22], [sflag:$0x1] =	stream.indirect.gather [hbm4b:s5+s19], $0x1, s2, s19, $0xb8;
	[tilespmem:$0x1C00] =	vst v63  }
0x18: {  	s25 =	simm.s32 $0x600  }
0x19: {  	[tilespmem:s25], [sflag:$0x1] =	stream.indirect.gather [hbm4b:s6+s19], $0x1, s2, s19, $0xb8;
	[tilespmem:$0x1C00] =	vst v63  }
0x1a: {  	s26 =	simm.s32 $0x800  }
0x1b: {  	[tilespmem:s26], [sflag:$0x1] =	stream.indirect.gather [hbm4b:s1+s19], $0x1, s2, s19, $0xb8;
	[tilespmem:$0x1C00] =	vst v63  }
0x1c: {  	_ =	swait.ge [sflag:s23], $0x200  }
0x1d: {  	[sflag:s23] =	ssyncset.done $0x0  }
0x1e: {  	[sflag:s23] =	ssyncadd.s32 $0xFFFFFE00  }
0x1f: {  	_ =	swait.ge [sflag:s23], $0x200  }
0x20: {  	[sflag:s23] =	ssyncset.done $0x0  }
0x21: {  	[sflag:s23] =	ssyncadd.s32 $0xFFFFFE00  }
0x22: {  	_ =	swait.ge [sflag:s23], $0x200  }
0x23: {  	[sflag:s23] =	ssyncset.done $0x0  }
0x24: {  	[sflag:s23] =	ssyncadd.s32 $0xFFFFFE00  }
0x25: {  	_ =	swait.ge [sflag:s23], $0x200  }
0x26: {  	[sflag:s23] =	ssyncset.done $0x0  }
0x27: {  	s25 =	simm.s32 $0xFFFFFE00;
	[sflag:s23] =	ssyncadd.s32 $0xFFFFFE00  }
0x28: {  	v0 =	vld [tilespmem:s25+$0x400]  }
0x29: {  	v1 =	vld [tilespmem:s25+$0x600];
	_ =	sdelay $0x1  }
0x2a: {  	v2 =	vld [tilespmem:s25+$0x800];
	_ =	sdelay $0x1  }
0x2b: {  	v3 =	vld [tilespmem:s25+$0xA00]  }
0x2c: {  	v4 =	vmul.f32 v0, v0;
	v16 =	vmul.f32 v1, v1;
	_ =	sdelay $0x1  }
0x2d: {  	v17 =	vmul.f32 v2, v2;
	v4 =	vadd.f32 v16, v4;
	_ =	sdelay $0x1  }
0x2e: {  	s22 =	simm.s32 $0xFFFFFE10;
	v5 =	vmul.f32 v3, v3;
	v4 =	vadd.f32 v17, v4  }
0x2f: {  	v18 =	vld [tilespmem:s22+$0x400]  }
0x30: {  	v19 =	vld [tilespmem:s22+$0x800];
	v4 =	vadd.f32 v5, v4  }
0x31: {  	v22 =	vld [tilespmem:s22+$0xA00]  }
0x32: {  	v9 =	vld [tilespmem:s22+$0x600];
	(erf) = vrcp.f32 v4  }
0x33: {  	v10 =	vmul.f32 v2, v0;
	v11 =	vmul.f32 v3, v1  }
0x34: {  	v8 =	vmul.f32 v3, v0;
	v13 =	vmul.f32 v18, v18  }
0x35: {  	v15 =	vmul.f32 v19, v19;
	v4 =	vmul.f32 v2, v1  }
0x36: {  	v23 =	vmul.f32 v22, v22;
	v21 =	vadd.f32 v5, v17;
	v6 =	vadd.f32 v5, v16  }
0x37: {  	v7 =	vsub.f32 v4, v8;
	v5 =	vadd.f32 v8, v4;
	v8 =	vmul.f32 v9, v9  }
0x38: {  	v12 =	vadd.f32 v11, v10;
	v1 =	vmul.f32 v1, v0;
	v2 =	vmul.f32 v3, v2  }
0x39: {  	v14 =	vmul.f32 v22, v9;
	v3 =	vsub.f32 v11, v10;
	v10 =	vadd.f32 v8, v13  }
0x3a: {  	v24 =	vadd.f32 v17, v16;
	v0 =	vmul.f32 v9, v18;
	v4 =	vsub.f32 v2, v1  }
0x3b: {  	v2 =	vadd.f32 v2, v1;
	v13 =	vmul.f32 v19, v9;
	v1 =	vadd.f32 v15, v10;
	v9 =	vpop (erf)  }
0x3c: {  	v16 =	vmul.f32 v22, v18;
	v17 =	vadd.f32 v23, v15;
	v9 =	vadd.f32 v9, v9  }
0x3d: {  	s24 =	simm.s32 $0xFFFFFE20;
	v11 =	vmul.f32 v19, v18;
	v10 =	vmul.f32 v22, v19;
	v20 =	vadd.f32 v23, v1  }
0x3e: {  	s26 =	simm.s32 $0xFFFFF8C0;
	v18 =	vadd.f32 v23, v8;
	v1 =	vld [tilespmem:s24+$0x400];
	v19 =	vmul.f32 v9, v21;
	v21 =	vmul.f32 v9, v24  }
.LBB2_2:
0x3f: {  	p0 =	sne.s32 s26, $0xFFFFFFC0;
	v22 =	vld [tilespmem:s24+$0x600];
	v23 =	vsub.f32 v13, v16;
	(erf) = vrcp.f32 v20;
	v20 =	vmul.f32 v9, v6;
	v24 =	vmovc v15;
	v25 =	vmovc v17  }
0x40: {  	v15 =	vadd.f32 v14, v11;
	v17 =	vmul.f32 v9, v7;
	v21 =	vsub.f32 $1.000000000e+00, v21;
	v6 =	vmovc v18  }
0x41: {  	v13 =	vadd.f32 v16, v13;
	v16 =	vsub.f32 v10, v0;
	v26 =	vmul.f32 v9, v12;
	v18 =	vld [tilespmem:s24+$0x800];
	v7 =	vmovc v23  }
0x42: {  	v11 =	vsub.f32 v14, v11;
	v10 =	vadd.f32 v10, v0;
	v14 =	vmul.f32 v9, v5;
	[tilespmem:s25+$0x1C00] =	vst v21  }
0x43: {  	v19 =	vsub.f32 $1.000000000e+00, v19;
	v20 =	vsub.f32 $1.000000000e+00, v20;
	v23 =	vmul.f32 v9, v4;
	v12 =	vmovc v15;
	v5 =	vmovc v13;
	v21 =	vld [tilespmem:s24+$0xA00];
	[tilespmem:s25+$0xE00] =	vst v17  }
0x44: {  	v4 =	vmov v16;
	v13 =	vmul.f32 v1, v1;
	v27 =	vmul.f32 v22, v22;
	[tilespmem:s25+$0x1000] =	vst v26  }
0x45: {  	v16 =	vmul.f32 v9, v3;
	v3 =	vmov v11;
	v0 =	vmul.f32 v22, v1;
	[tilespmem:s25+$0xC00] =	vst v19  }
0x46: {  	v15 =	vmul.f32 v18, v18;
	v17 =	vadd.f32 v27, v13;
	v13 =	vmul.f32 v18, v22;
	[tilespmem:s25+$0x1400] =	vst v20  }
.Ltmp0:
0x47: {  	v19 =	vmul.f32 v9, v2;
	v2 =	vmov v10;
	v11 =	vmul.f32 v18, v1;
	[tilespmem:s25+$0x1200] =	vst v14;
	(pc) =	sbr.rel @p0 .LBB2_2-.Ltmp0, $4  }
0x48: {  	v26 =	vmul.f32 v21, v21;
	v17 =	vadd.f32 v15, v17;
	v14 =	vmul.f32 v21, v22;
	v9 =	vpop (erf);
	[tilespmem:s25+$0x1600] =	vst v23  }
0x49: {  	v10 =	vmul.f32 v21, v18;
	v22 =	vadd.f32 v24, v8;
	v9 =	vadd.f32 v9, v9;
	[tilespmem:s25+$0x1800] =	vst v16  }
0x4a: {  	v16 =	vmul.f32 v21, v1;
	v20 =	vadd.f32 v26, v17;
	v17 =	vadd.f32 v26, v15;
	[tilespmem:s25+$0x1A00] =	vst v19;
	s25 =	smov.u32 s22;
	s22 =	smov.u32 s24;
	s24 =	sshra.s32 s26, $0x2  }
0x4b: {  	v8 =	vmovc v27;
	s26 =	sadd.s32 $0x40, s26;
	v18 =	vadd.f32 v26, v27;
	v1 =	vld [tilespmem:s24+$0x400];
	v19 =	vmul.f32 v9, v25;
	v21 =	vmul.f32 v9, v22  }
0x4c: {  	v22 =	vld [tilespmem:s24+$0x600]  }
0x4d: {  	v21 =	vsub.f32 $1.000000000e+00, v21  }
0x4e: {  	v23 =	vld [tilespmem:s24+$0x800]  }
0x4f: {  	[tilespmem:s25+$0x1C00] =	vst v21  }
0x50: {  	(erf) = vrcp.f32 v20;
	v29 =	vld [tilespmem:s24+$0xA00]  }
0x51: {  	v30 =	vmul.f32 v1, v1;
	v24 =	vmul.f32 v22, v22;
	_ =	sdelay $0x1  }
0x52: {  	v25 =	vmul.f32 v23, v23;
	v21 =	vadd.f32 v24, v30  }
0x53: {  	v7 =	vmul.f32 v9, v7;
	v6 =	vmul.f32 v9, v6  }
0x54: {  	v12 =	vmul.f32 v9, v12;
	v26 =	vmul.f32 v29, v29;
	v21 =	vadd.f32 v25, v21  }
0x55: {  	v31 =	vsub.f32 $1.000000000e+00, v19;
	[tilespmem:s25+$0xE00] =	vst v7  }
0x56: {  	v6 =	vsub.f32 $1.000000000e+00, v6;
	[tilespmem:s25+$0x1000] =	vst v12;
	v21 =	vadd.f32 v26, v21  }
0x57: {  	v5 =	vmul.f32 v9, v5;
	[tilespmem:s25+$0xC00] =	vst v31  }
0x58: {  	v4 =	vmul.f32 v9, v4;
	[tilespmem:s25+$0x1400] =	vst v6;
	v32 =	vpop (erf);
	(erf) = vrcp.f32 v21  }
0x59: {  	v3 =	vmul.f32 v9, v3;
	v35 =	vsub.f32 v13, v16;
	[tilespmem:s25+$0x1200] =	vst v5;
	v33 =	vadd.f32 v32, v32  }
0x5a: {  	v8 =	vadd.f32 v15, v8;
	v36 =	vadd.f32 v14, v11;
	v2 =	vmul.f32 v9, v2;
	[tilespmem:s25+$0x1600] =	vst v4  }
0x5b: {  	v37 =	vadd.f32 v16, v13;
	[tilespmem:s25+$0x1800] =	vst v3;
	v44 =	vmul.f32 v23, v22;
	v6 =	vmul.f32 v33, v35  }
0x5c: {  	v39 =	vsub.f32 v10, v0;
	[tilespmem:s25+$0x1A00] =	vst v2;
	v34 =	vmul.f32 v33, v8;
	v8 =	vmul.f32 v33, v36  }
0x5d: {  	v41 =	vsub.f32 v14, v11;
	v45 =	vmul.f32 v23, v1;
	v4 =	vmul.f32 v33, v37;
	[tilespmem:s22+$0xE00] =	vst v6  }
0x5e: {  	v50 =	vadd.f32 v10, v0;
	v46 =	vmul.f32 v29, v22;
	v5 =	vmul.f32 v33, v39;
	[tilespmem:s22+$0x1000] =	vst v8  }
0x5f: {  	v51 =	vmul.f32 v29, v1;
	v9 =	vmul.f32 v33, v41;
	[tilespmem:s22+$0x1200] =	vst v4  }
0x60: {  	v40 =	vmul.f32 v33, v17;
	v0 =	vmul.f32 v33, v50;
	[tilespmem:s22+$0x1600] =	vst v5  }
0x61: {  	v55 =	vsub.f32 v44, v51;
	v42 =	vmul.f32 v33, v18;
	v38 =	vsub.f32 $1.000000000e+00, v34;
	[tilespmem:s22+$0x1800] =	vst v9;
	v47 =	vpop (erf)  }
0x62: {  	v43 =	vmul.f32 v22, v1;
	v2 =	vsub.f32 $1.000000000e+00, v40;
	[tilespmem:s22+$0x1A00] =	vst v0;
	v48 =	vadd.f32 v47, v47  }
0x63: {  	v56 =	vmul.f32 v29, v23;
	v57 =	vadd.f32 v46, v45;
	v11 =	vsub.f32 $1.000000000e+00, v42;
	[tilespmem:s22+$0x1C00] =	vst v38  }
0x64: {  	v1 =	vadd.f32 v51, v44;
	[tilespmem:s22+$0xC00] =	vst v2;
	v59 =	vmul.f32 v48, v55  }
0x65: {  	v49 =	vadd.f32 v25, v24;
	v60 =	vsub.f32 v56, v43;
	[tilespmem:s22+$0x1400] =	vst v11;
	v7 =	vmul.f32 v48, v57  }
0x66: {  	v52 =	vadd.f32 v26, v25;
	v6 =	vsub.f32 v46, v45;
	v1 =	vmul.f32 v48, v1;
	[tilespmem:s24+$0xE00] =	vst v59  }
0x67: {  	v54 =	vadd.f32 v26, v24;
	v53 =	vmul.f32 v48, v49;
	v62 =	vmul.f32 v48, v60;
	[tilespmem:s24+$0x1000] =	vst v7  }
0x68: {  	v58 =	vmul.f32 v48, v52;
	v63 =	vmul.f32 v48, v6;
	[tilespmem:s24+$0x1200] =	vst v1  }
0x69: {  	v8 =	vmul.f32 v48, v54;
	v4 =	vsub.f32 $1.000000000e+00, v53;
	[tilespmem:s24+$0x1600] =	vst v62  }
0x6a: {  	v61 =	vadd.f32 v56, v43;
	v0 =	vsub.f32 $1.000000000e+00, v58;
	[tilespmem:s24+$0x1800] =	vst v63  }
0x6b: {  	v8 =	vsub.f32 $1.000000000e+00, v8;
	[tilespmem:s24+$0x1C00] =	vst v4  }
0x6c: {  	[tilespmem:s24+$0xC00] =	vst v0;
	v0 =	vmul.f32 v48, v61  }
0x6d: {  	[tilespmem:s24+$0x1400] =	vst v8  }
0x6e: {  	[tilespmem:s24+$0x1A00] =	vst v0;
	s24 =	simm.s32 $0xA00  }
0x6f: {  	[hbm4b:s8+s2] =	stream.linear.scatter [tilespmem:s24], [sflag:$0x2], $0x200, $0x38;
	[tilespmem:$0x1C00] =	vst v63  }
0x70: {  	s25 =	simm.s32 $0xC00  }
0x71: {  	[hbm4b:s9+s2] =	stream.linear.scatter [tilespmem:s25], [sflag:$0x2], $0x200, $0x38;
	[tilespmem:$0x1C00] =	vst v63  }
0x72: {  	s26 =	simm.s32 $0xE00  }
0x73: {  	[hbm4b:s10+s2] =	stream.linear.scatter [tilespmem:s26], [sflag:$0x2], $0x200, $0x38;
	[tilespmem:$0x1C00] =	vst v63  }
0x74: {  	_ = 	snop  }
0x75: {  	[hbm4b:s11+s2] =	stream.linear.scatter [tilespmem:s28], [sflag:$0x2], $0x200, $0x38;
	[tilespmem:$0x1C00] =	vst v63  }
0x76: {  	_ = 	snop  }
0x77: {  	[hbm4b:s12+s2] =	stream.linear.scatter [tilespmem:s29], [sflag:$0x2], $0x200, $0x38;
	[tilespmem:$0x1C00] =	vst v63  }
0x78: {  	_ = 	snop  }
0x79: {  	[hbm4b:s13+s2] =	stream.linear.scatter [tilespmem:s30], [sflag:$0x2], $0x200, $0x38;
	[tilespmem:$0x1C00] =	vst v63  }
0x7a: {  	_ = 	snop  }
0x7b: {  	[hbm4b:s14+s2] =	stream.linear.scatter [tilespmem:s31], [sflag:$0x2], $0x200, $0x38;
	[tilespmem:$0x1C00] =	vst v63  }
0x7c: {  	_ = 	snop  }
0x7d: {  	[hbm4b:s15+s2] =	stream.linear.scatter [tilespmem:s0], [sflag:$0x2], $0x200, $0x38;
	[tilespmem:$0x1C00] =	vst v63  }
0x7e: {  	_ = 	snop  }
0x7f: {  	[hbm4b:s16+s2] =	stream.linear.scatter [tilespmem:s3], [sflag:$0x2], $0x200, $0x38;
	[tilespmem:$0x1C00] =	vst v63  }
0x80: {  	_ =	swait.ge [sflag:s20], $0x200  }
0x81: {  	[sflag:s20] =	ssyncset.done $0x0  }
0x82: {  	[sflag:s20] =	ssyncadd.s32 $0xFFFFFE00  }
0x83: {  	_ =	swait.ge [sflag:s20], $0x200  }
0x84: {  	[sflag:s20] =	ssyncset.done $0x0  }
0x85: {  	[sflag:s20] =	ssyncadd.s32 $0xFFFFFE00  }
0x86: {  	_ =	swait.ge [sflag:s20], $0x200  }
0x87: {  	[sflag:s20] =	ssyncset.done $0x0  }
0x88: {  	[sflag:s20] =	ssyncadd.s32 $0xFFFFFE00  }
0x89: {  	_ =	swait.ge [sflag:s20], $0x200  }
0x8a: {  	[sflag:s20] =	ssyncset.done $0x0  }
0x8b: {  	[sflag:s20] =	ssyncadd.s32 $0xFFFFFE00  }
0x8c: {  	_ =	swait.ge [sflag:s20], $0x200  }
0x8d: {  	[sflag:s20] =	ssyncset.done $0x0  }
0x8e: {  	[sflag:s20] =	ssyncadd.s32 $0xFFFFFE00  }
0x8f: {  	_ =	swait.ge [sflag:s20], $0x200  }
0x90: {  	[sflag:s20] =	ssyncset.done $0x0  }
0x91: {  	[sflag:s20] =	ssyncadd.s32 $0xFFFFFE00  }
0x92: {  	_ =	swait.ge [sflag:s20], $0x200  }
0x93: {  	[sflag:s20] =	ssyncset.done $0x0  }
0x94: {  	s21 =	sadd.s32 $0x1, s21;
	[sflag:s20] =	ssyncadd.s32 $0xFFFFFE00  }
0x95: {  	p0 =	sne.s32 s21, s17;
	_ =	swait.ge [sflag:s20], $0x200  }
.Ltmp1:
0x96: {  	[sflag:s20] =	ssyncset.done $0x0;
	(pc) =	sbr.rel @p0 .LBB2_1-.Ltmp1, $4  }
0x97: {  	[sflag:s20] =	ssyncadd.s32 $0xFFFFFE00  }
0x98: {  	_ =	swait.ge [sflag:s20], $0x200  }
0x99: {  	[sflag:s20] =	ssyncset.done $0x0  }
0x9a: {  	[sflag:s20] =	ssyncadd.s32 $0xFFFFFE00  }
0x9b: {  	_ =	sfence.sel $0x180000  }
0x9c: {  	[bflag:$0x0] =	sbarrier.arrive $0xFFFF  }
0x9d: {  	_ =	strace $0x90000047  }
0x9e: {  	s0 =	stileid.u32;
	[bflag:$0x2] =	sbarrier.arrive $0xFFFF  }
0x9f: {  	p0 =	sne.s32 s0, $0x0;
	s0 =	rddreg [dreg:$0x4]  }
0xa0: {  	s0 =	sadd.s32 @!p0 $0x100000, s0  }
0xa1: {  	[sflag:s0] =	ssyncadd.tile.s32 @!p0 $0x1;
	_ =	shalt  }
.Lfunc_end2:
_tile_overlayer_lowered:
.L_overlay_start_2:
0xa2: {  	(tag) =	ssettag $0x2  }
0xa3: {  	s0 =	rddreg [dreg:$0x0];
	s2 =	stileid.u32  }
0xa4: {  	s1 =	rddreg [dreg:$0x1];
	p0 =	sne.s32 s2, $0x0  }
0xa5: {  	s3 =	rddreg [dreg:$0x2];
	[bflag:$0x3] =	sbarrier.arrive $0xFFFF;
	s2 =	simm.s32 @!p0 $0x1C03  }
0xa6: {  	[timem:s3], [sflag:s2] =	dma.local @!p0 [hbm:s0], s1  }
0xa7: {  	s0 =	simm.s32 @!p0 $0x3  }
0xa8: {  	_ =	swait.ge @!p0 [sflag:s0], s1  }
0xa9: {  	s1 =	ssub.s32 @!p0 $0x0, s1;
	[sflag:s0] =	ssyncset.done @!p0 $0x0  }
0xaa: {  	[sflag:s0] =	ssyncadd.s32 @!p0 s1  }
0xab: {  	[bflag:$0x3] =	sbarrier.arrive $0xFFFF  }
0xac: {  	_ =	shalt  }

</sc_bundles>
